<compile_context>
chip_gen: v7x
topology: tpu7x:2x2x1
jax: 0.10.2.dev20260603
libtpu: 0.0.44.dev20260713+nightly
codegen_flags: <defaults>
</compile_context>

<pallas_src>
import functools

import jax
import jax.numpy as jnp
from jax import lax
from jax.experimental import pallas as pl
from jax.experimental.pallas import tpu as pltpu
from jax.experimental.pallas import tpu_sc as plsc

E = 100000
T = 300000
R = 128
S = 8
M = 32

NC = 2
NS = 16
NW = NC * NS
C = 128

CHUNKS_PER_W = (T + NW * C - 1) // (NW * C)
T_PAD = NW * C * CHUNKS_PER_W


def _mm_body(a_ref, b_ref, o_ref):
    o_ref[...] = jnp.dot(a_ref[...], b_ref[...],
                         preferred_element_type=jnp.float32)


def _matmul(rbf, wp):
    blk = 2000
    grid = (E // blk,)
    return pl.pallas_call(
        _mm_body,
        grid=grid,
        in_specs=[
            pl.BlockSpec((blk, R), lambda i: (i, 0)),
            pl.BlockSpec((R, S * M), lambda i: (0, 0)),
        ],
        out_specs=pl.BlockSpec((blk, S * M), lambda i: (i, 0)),
        out_shape=jax.ShapeDtypeStruct((E, S * M), jnp.float32),
    )(rbf, wp)


def _sc_body(u_hbm, idx_hbm, sph_hbm, out_hbm,
             idx_v, sph_v, rows_v, out_v, sem):
    wid = lax.axis_index("s") * NC + lax.axis_index("c")
    base = wid * (CHUNKS_PER_W * C)

    def chunk_step(g, _):
        off = base + g * C
        pltpu.sync_copy(idx_hbm.at[pl.ds(off, C)], idx_v)
        pltpu.sync_copy(sph_hbm.at[pl.ds(off * S, C * S)], sph_v)
        pltpu.async_copy(u_hbm.at[idx_v], rows_v, sem).wait()

        def tri(i, _):
            sv = sph_v[pl.ds(i * 16, 16)]
            for t2 in range(2):
                j = i * 2 + t2
                acc0 = jnp.zeros((16,), jnp.float32)
                acc1 = jnp.zeros((16,), jnp.float32)
                for b in range(S):
                    s = lax.broadcast(sv[t2 * S + b], (16,))
                    acc0 = acc0 + s * rows_v[j, pl.ds(b * M, 16)]
                    acc1 = acc1 + s * rows_v[j, pl.ds(b * M + 16, 16)]
                out_v[j, pl.ds(0, 16)] = acc0
                out_v[j, pl.ds(16, 16)] = acc1
            return 0

        lax.fori_loop(0, C // 2, tri, 0)
        pltpu.sync_copy(out_v, out_hbm.at[pl.ds(off, C)])
        return 0

    lax.fori_loop(0, CHUNKS_PER_W, chunk_step, 0)


_sc_lookup = functools.partial(
    pl.kernel,
    out_type=jax.ShapeDtypeStruct((T_PAD, M), jnp.float32),
    mesh=plsc.VectorSubcoreMesh(core_axis_name="c", subcore_axis_name="s"),
    scratch_types=[
        pltpu.VMEM((C,), jnp.int32),
        pltpu.VMEM((C * S,), jnp.float32),
        pltpu.VMEM((C, S * M), jnp.float32),
        pltpu.VMEM((C, M), jnp.float32),
        pltpu.SemaphoreType.DMA,
    ],
)(_sc_body)


def kernel(rbf, sph, idx_sph, weight):
    w2 = weight.reshape(R, S * M)
    wp = w2.reshape(R, M, S).transpose(0, 2, 1).reshape(R, S * M)
    u = _matmul(rbf, wp)

    idx_p = jnp.zeros((T_PAD,), jnp.int32).at[:T].set(idx_sph)
    sph_p = jnp.zeros((T_PAD * S,), jnp.float32).at[:T * S].set(sph.reshape(-1))

    out = _sc_lookup(u, idx_p, sph_p)
    return out[:T]

# --- scband reference (transcript-rebuilt; emitter-appended) ---
"""Pipeline reference for scband-basis-embedding-30356828848435 (READ-ONLY COPY).

The authoritative reference and input builder live on the scoring server;
editing this copy changes nothing except your own understanding.
"""

import jax, jax.numpy as jnp
import numpy as np

NUM_EDGES = 100000
NUM_TRIPLETS = 300000
NUM_RADIAL = 128
NUM_SPHERICAL = 8
EMB_SIZE_INTERM = 32


def setup_inputs(seed: int = 0) -> dict:
    key = jax.random.key(seed)
    k1, k2, k3, k4 = jax.random.split(key, 4)
    rbf = jax.random.normal(k1, (NUM_EDGES, NUM_RADIAL), dtype=jnp.float32)
    sph = jax.random.normal(k2, (NUM_TRIPLETS, NUM_SPHERICAL), dtype=jnp.float32)
    idx_sph = jax.random.randint(k3, (NUM_TRIPLETS,), 0, NUM_EDGES, dtype=jnp.int32)
    # learned parameter: weight of shape (num_radial, num_spherical, emb_size_interm)
    # he_orthogonal_init approximated by scaled normal (fan_in = num_radial)
    weight = jax.random.normal(k4, (NUM_RADIAL, NUM_SPHERICAL, EMB_SIZE_INTERM), dtype=jnp.float32) / jnp.sqrt(float(NUM_RADIAL))
    return {"rbf": rbf, "sph": sph, "idx_sph": idx_sph, "weight": weight}


def reference(rbf, sph, idx_sph, weight):
    # BasisEmbedding.forward with num_spherical set, rbf_per_sph=False,
    # idx_sph provided, idx_ragged_rad=None, idx_ragged_sph=None
    num_edges = rbf.shape[0]
    # rbf_W1 = rbf @ weight.reshape(num_radial, -1)
    rbf_W1 = rbf @ weight.reshape(weight.shape[0], -1)  # (E, num_spherical*emb)
    # reshape so last dim matches sph.shape[-1] (faithful to original column mixing)
    rbf_W1 = rbf_W1.reshape(num_edges, -1, sph.shape[-1])  # (E, emb, sph)
    # gather per triplet: rbf_W1 = rbf_W1[idx_sph]
    rbf_W1_g = jnp.take(rbf_W1, idx_sph, axis=0)  # (T, emb, sph)
    # cbf_W1 = rbf_W1 @ sph[:, :, None]; squeeze(-1)
    cbf_W1 = jnp.einsum('tes,ts->te', rbf_W1_g, sph)  # (T, emb)
    return cbf_W1

if __name__ == "__main__":
    import jax
    _d = setup_inputs()
    print(jax.jit(kernel)(*tuple(_d.values())))

</pallas_src>

<mosaic_0001>
#map = affine_map<(d0, d1) -> (0, 0)>
#map1 = affine_map<(d0, d1) -> (0)>
module attributes {stable_mosaic.version = 14 : i64} {
  func.func @_sc_body(%arg0: i32, %arg1: i32, %arg2: memref<100000x256xf32, #tpu.memory_space<hbm>>, %arg3: memref<303104xi32, #tpu.memory_space<hbm>>, %arg4: memref<2424832xf32, #tpu.memory_space<hbm>>, %arg5: memref<303104x32xf32, #tpu.memory_space<hbm>>, %arg6: memref<128xi32, #tpu.memory_space<vmem>>, %arg7: memref<1024xf32, #tpu.memory_space<vmem>>, %arg8: memref<128x256xf32, #tpu.memory_space<vmem>>, %arg9: memref<128x32xf32, #tpu.memory_space<vmem>>, %arg10: memref<!tpu.dma_semaphore, #tpu.memory_space<semaphore_mem>>) attributes {dimension_semantics = [#tpu.dimension_semantics<core_parallel>, #tpu.dimension_semantics<subcore_parallel>], iteration_bounds = array<i64: 2, 16>, scalar_prefetch = 0 : i64, scratch_operands = 5 : i64, tpu.core_type = #tpu.core_type<sc_vector_subcore>, window_params = [{transform_indices = #map}, {transform_indices = #map1}, {transform_indices = #map1}, {transform_indices = #map}]} {
    %mul3A = arith.constant 2 : i32
    %mul3A_0 = arith.muli %arg1, %mul3A : i32
    %add3A = arith.addi %mul3A_0, %arg0 : i32
    %mul3A_1 = arith.constant 9472 : i32
    %mul3A_2 = arith.muli %add3A, %mul3A_1 : i32
    %scan3A = arith.constant 0 : i32
    %scan3A_3 = arith.constant 0 : i32
    %scan3A_4 = arith.constant 74 : i32
    %scan3A_5 = arith.addi %scan3A_3, %scan3A_4 : i32
    %scan3A_6 = arith.constant 1 : i32
    %scan3A_7 = scf.for %scan3A_9 = %scan3A_3 to %scan3A_5 step %scan3A_6 iter_args(%scan3A_10 = %scan3A) -> (i32)  : i32 {
      %mul3A_11 = arith.constant 128 : i32
      %mul3A_12 = arith.muli %scan3A_9, %mul3A_11 : i32
      %add3A_13 = arith.addi %mul3A_2, %mul3A_12 : i32
      "tpu.region"() ({
        %run_scoped3A = tpu.sem_alloc : memref<!tpu.dma_semaphore, #tpu.memory_space<semaphore_mem>>
        %dma_start3A_28 = tpu.memref_slice %arg3[%add3A_13] : memref<303104xi32, #tpu.memory_space<hbm>> -> memref<128xi32, #tpu.memory_space<hbm>>
        %dma_start3A_29 = tpu.memref_slice %arg3[%add3A_13] : memref<303104xi32, #tpu.memory_space<hbm>> -> memref<128xi32, #tpu.memory_space<hbm>>
        tpu.enqueue_dma source(%dma_start3A_29 : memref<128xi32, #tpu.memory_space<hbm>>) target(%arg6 : memref<128xi32, #tpu.memory_space<vmem>>) target_semaphore(%run_scoped3A : memref<!tpu.dma_semaphore, #tpu.memory_space<semaphore_mem>>)
        %dma_wait3A_30 = tpu.memref_slice %arg3[%add3A_13] : memref<303104xi32, #tpu.memory_space<hbm>> -> memref<128xi32, #tpu.memory_space<hbm>>
        %dma_wait3A_31 = tpu.memref_slice %arg3[%add3A_13] : memref<303104xi32, #tpu.memory_space<hbm>> -> memref<128xi32, #tpu.memory_space<hbm>>
        tpu.wait_dma2 semaphore(%run_scoped3A : memref<!tpu.dma_semaphore, #tpu.memory_space<semaphore_mem>>) src(%dma_wait3A_31 : memref<128xi32, #tpu.memory_space<hbm>>) dst(%arg6 : memref<128xi32, #tpu.memory_space<vmem>>)
        tpu.yield
      }) : () -> ()
      %mul3A_14 = arith.constant 8 : i32
      %mul3A_15 = arith.muli %add3A_13, %mul3A_14 : i32
      "tpu.region"() ({
        %run_scoped3A = tpu.sem_alloc : memref<!tpu.dma_semaphore, #tpu.memory_space<semaphore_mem>>
        %dma_start3A_28 = tpu.memref_slice %arg4[%mul3A_15] : memref<2424832xf32, #tpu.memory_space<hbm>> -> memref<1024xf32, #tpu.memory_space<hbm>>
        %dma_start3A_29 = tpu.memref_slice %arg4[%mul3A_15] : memref<2424832xf32, #tpu.memory_space<hbm>> -> memref<1024xf32, #tpu.memory_space<hbm>>
        tpu.enqueue_dma source(%dma_start3A_29 : memref<1024xf32, #tpu.memory_space<hbm>>) target(%arg7 : memref<1024xf32, #tpu.memory_space<vmem>>) target_semaphore(%run_scoped3A : memref<!tpu.dma_semaphore, #tpu.memory_space<semaphore_mem>>)
        %dma_wait3A_30 = tpu.memref_slice %arg4[%mul3A_15] : memref<2424832xf32, #tpu.memory_space<hbm>> -> memref<1024xf32, #tpu.memory_space<hbm>>
        %dma_wait3A_31 = tpu.memref_slice %arg4[%mul3A_15] : memref<2424832xf32, #tpu.memory_space<hbm>> -> memref<1024xf32, #tpu.memory_space<hbm>>
        tpu.wait_dma2 semaphore(%run_scoped3A : memref<!tpu.dma_semaphore, #tpu.memory_space<semaphore_mem>>) src(%dma_wait3A_31 : memref<1024xf32, #tpu.memory_space<hbm>>) dst(%arg7 : memref<1024xf32, #tpu.memory_space<vmem>>)
        tpu.yield
      }) : () -> ()
      %dma_start3A = arith.constant 0 : i32
      %dma_start3A_16 = arith.constant 0 : i32
      %dma_start3A_17 = tpu.memref_slice %arg2[%dma_start3A, %dma_start3A_16] : memref<100000x256xf32, #tpu.memory_space<hbm>> -> memref<100000x256xf32, #tpu.memory_space<hbm>>
      tpu.enqueue_indirect_dma source(%dma_start3A_17 : memref<100000x256xf32, #tpu.memory_space<hbm>>) target(%arg8 : memref<128x256xf32, #tpu.memory_space<vmem>>) offsets(%arg6 : memref<128xi32, #tpu.memory_space<vmem>>) semaphore(%arg10 : memref<!tpu.dma_semaphore, #tpu.memory_space<semaphore_mem>>)
      %dma_wait3A = arith.constant 0 : i32
      %dma_wait3A_18 = arith.constant 0 : i32
      %dma_wait3A_19 = tpu.memref_slice %arg2[%dma_wait3A, %dma_wait3A_18] : memref<100000x256xf32, #tpu.memory_space<hbm>> -> memref<100000x256xf32, #tpu.memory_space<hbm>>
      tpu.wait_indirect_dma semaphore(%arg10 : memref<!tpu.dma_semaphore, #tpu.memory_space<semaphore_mem>>) src(%dma_wait3A_19 : memref<100000x256xf32, #tpu.memory_space<hbm>>) dst(%arg8 : memref<128x256xf32, #tpu.memory_space<vmem>>)
      %scan3A_20 = arith.constant 0 : i32
      %scan3A_21 = arith.constant 0 : i32
      %scan3A_22 = arith.constant 64 : i32
      %scan3A_23 = arith.addi %scan3A_21, %scan3A_22 : i32
      %scan3A_24 = arith.constant 1 : i32
      %scan3A_25 = scf.for %scan3A_28 = %scan3A_21 to %scan3A_23 step %scan3A_24 iter_args(%scan3A_29 = %scan3A_20) -> (i32)  : i32 {
        %mul3A_30 = arith.constant 16 : i32
        %mul3A_31 = arith.muli %scan3A_28, %mul3A_30 : i32
        %get3A = arith.index_cast %mul3A_31 : i32 to index
        %get3A_32 = tpu.vector_load %arg7[%get3A] {strides = array<i32>} : memref<1024xf32, #tpu.memory_space<vmem>>, vector<16xf32>,
        %get3A_33 = vector.shape_cast %get3A_32 : vector<16xf32> to vector<16xf32>
        %mul3A_34 = arith.constant 2 : i32
        %mul3A_35 = arith.muli %scan3A_28, %mul3A_34 : i32
        %add3A_36 = arith.constant 0 : i32
        %add3A_37 = arith.addi %mul3A_35, %add3A_36 : i32
        %broadcast_in_dim3A = arith.constant 0.000000e+00 : f32
        %broadcast_in_dim3A_38 = vector.broadcast %broadcast_in_dim3A : f32 to vector<16xf32>
        %broadcast_in_dim3A_39 = arith.constant 0.000000e+00 : f32
        %broadcast_in_dim3A_40 = vector.broadcast %broadcast_in_dim3A_39 : f32 to vector<16xf32>
        %slice3A = vector.extract_strided_slice %get3A_33 {offsets = [0], sizes = [1], strides = [1]} : vector<16xf32> to vector<1xf32>
        %squeeze3A = vector.extract %slice3A[0] : f32 from vector<1xf32>
        %broadcast_in_dim3A_41 = vector.broadcast %squeeze3A : f32 to vector<16xf32>
        %get3A_42 = arith.index_cast %add3A_37 : i32 to index
        %get3A_43 = arith.constant 0 : index
        %get3A_44 = tpu.vector_load %arg8[%get3A_42, %get3A_43] {strides = array<i32>} : memref<128x256xf32, #tpu.memory_space<vmem>>, vector<1x16xf32>,
        %get3A_45 = vector.shape_cast %get3A_44 : vector<1x16xf32> to vector<16xf32>
        %mul3A_46 = arith.mulf %broadcast_in_dim3A_41, %get3A_45 : vector<16xf32>
        %add3A_47 = arith.addf %broadcast_in_dim3A_38, %mul3A_46 : vector<16xf32>
        %get3A_48 = arith.index_cast %add3A_37 : i32 to index
        %get3A_49 = arith.constant 16 : index
        %get3A_50 = tpu.vector_load %arg8[%get3A_48, %get3A_49] {strides = array<i32>} : memref<128x256xf32, #tpu.memory_space<vmem>>, vector<1x16xf32>,
        %get3A_51 = vector.shape_cast %get3A_50 : vector<1x16xf32> to vector<16xf32>
        %mul3A_52 = arith.mulf %broadcast_in_dim3A_41, %get3A_51 : vector<16xf32>
        %add3A_53 = arith.addf %broadcast_in_dim3A_40, %mul3A_52 : vector<16xf32>
        %slice3A_54 = vector.extract_strided_slice %get3A_33 {offsets = [1], sizes = [1], strides = [1]} : vector<16xf32> to vector<1xf32>
        %squeeze3A_55 = vector.extract %slice3A_54[0] : f32 from vector<1xf32>
        %broadcast_in_dim3A_56 = vector.broadcast %squeeze3A_55 : f32 to vector<16xf32>
        %get3A_57 = arith.index_cast %add3A_37 : i32 to index
        %get3A_58 = arith.constant 32 : index
        %get3A_59 = tpu.vector_load %arg8[%get3A_57, %get3A_58] {strides = array<i32>} : memref<128x256xf32, #tpu.memory_space<vmem>>, vector<1x16xf32>,
        %get3A_60 = vector.shape_cast %get3A_59 : vector<1x16xf32> to vector<16xf32>
        %mul3A_61 = arith.mulf %broadcast_in_dim3A_56, %get3A_60 : vector<16xf32>
        %add3A_62 = arith.addf %add3A_47, %mul3A_61 : vector<16xf32>
        %get3A_63 = arith.index_cast %add3A_37 : i32 to index
        %get3A_64 = arith.constant 48 : index
        %get3A_65 = tpu.vector_load %arg8[%get3A_63, %get3A_64] {strides = array<i32>} : memref<128x256xf32, #tpu.memory_space<vmem>>, vector<1x16xf32>,
        %get3A_66 = vector.shape_cast %get3A_65 : vector<1x16xf32> to vector<16xf32>
        %mul3A_67 = arith.mulf %broadcast_in_dim3A_56, %get3A_66 : vector<16xf32>
        %add3A_68 = arith.addf %add3A_53, %mul3A_67 : vector<16xf32>
        %slice3A_69 = vector.extract_strided_slice %get3A_33 {offsets = [2], sizes = [1], strides = [1]} : vector<16xf32> to vector<1xf32>
        %squeeze3A_70 = vector.extract %slice3A_69[0] : f32 from vector<1xf32>
        %broadcast_in_dim3A_71 = vector.broadcast %squeeze3A_70 : f32 to vector<16xf32>
        %get3A_72 = arith.index_cast %add3A_37 : i32 to index
        %get3A_73 = arith.constant 64 : index
        %get3A_74 = tpu.vector_load %arg8[%get3A_72, %get3A_73] {strides = array<i32>} : memref<128x256xf32, #tpu.memory_space<vmem>>, vector<1x16xf32>,
        %get3A_75 = vector.shape_cast %get3A_74 : vector<1x16xf32> to vector<16xf32>
        %mul3A_76 = arith.mulf %broadcast_in_dim3A_71, %get3A_75 : vector<16xf32>
        %add3A_77 = arith.addf %add3A_62, %mul3A_76 : vector<16xf32>
        %get3A_78 = arith.index_cast %add3A_37 : i32 to index
        %get3A_79 = arith.constant 80 : index
        %get3A_80 = tpu.vector_load %arg8[%get3A_78, %get3A_79] {strides = array<i32>} : memref<128x256xf32, #tpu.memory_space<vmem>>, vector<1x16xf32>,
        %get3A_81 = vector.shape_cast %get3A_80 : vector<1x16xf32> to vector<16xf32>
        %mul3A_82 = arith.mulf %broadcast_in_dim3A_71, %get3A_81 : vector<16xf32>
        %add3A_83 = arith.addf %add3A_68, %mul3A_82 : vector<16xf32>
        %slice3A_84 = vector.extract_strided_slice %get3A_33 {offsets = [3], sizes = [1], strides = [1]} : vector<16xf32> to vector<1xf32>
        %squeeze3A_85 = vector.extract %slice3A_84[0] : f32 from vector<1xf32>
        %broadcast_in_dim3A_86 = vector.broadcast %squeeze3A_85 : f32 to vector<16xf32>
        %get3A_87 = arith.index_cast %add3A_37 : i32 to index
        %get3A_88 = arith.constant 96 : index
        %get3A_89 = tpu.vector_load %arg8[%get3A_87, %get3A_88] {strides = array<i32>} : memref<128x256xf32, #tpu.memory_space<vmem>>, vector<1x16xf32>,
        %get3A_90 = vector.shape_cast %get3A_89 : vector<1x16xf32> to vector<16xf32>
        %mul3A_91 = arith.mulf %broadcast_in_dim3A_86, %get3A_90 : vector<16xf32>
        %add3A_92 = arith.addf %add3A_77, %mul3A_91 : vector<16xf32>
        %get3A_93 = arith.index_cast %add3A_37 : i32 to index
        %get3A_94 = arith.constant 112 : index
        %get3A_95 = tpu.vector_load %arg8[%get3A_93, %get3A_94] {strides = array<i32>} : memref<128x256xf32, #tpu.memory_space<vmem>>, vector<1x16xf32>,
        %get3A_96 = vector.shape_cast %get3A_95 : vector<1x16xf32> to vector<16xf32>
        %mul3A_97 = arith.mulf %broadcast_in_dim3A_86, %get3A_96 : vector<16xf32>
        %add3A_98 = arith.addf %add3A_83, %mul3A_97 : vector<16xf32>
        %slice3A_99 = vector.extract_strided_slice %get3A_33 {offsets = [4], sizes = [1], strides = [1]} : vector<16xf32> to vector<1xf32>
        %squeeze3A_100 = vector.extract %slice3A_99[0] : f32 from vector<1xf32>
        %broadcast_in_dim3A_101 = vector.broadcast %squeeze3A_100 : f32 to vector<16xf32>
        %get3A_102 = arith.index_cast %add3A_37 : i32 to index
        %get3A_103 = arith.constant 128 : index
        %get3A_104 = tpu.vector_load %arg8[%get3A_102, %get3A_103] {strides = array<i32>} : memref<128x256xf32, #tpu.memory_space<vmem>>, vector<1x16xf32>,
        %get3A_105 = vector.shape_cast %get3A_104 : vector<1x16xf32> to vector<16xf32>
        %mul3A_106 = arith.mulf %broadcast_in_dim3A_101, %get3A_105 : vector<16xf32>
        %add3A_107 = arith.addf %add3A_92, %mul3A_106 : vector<16xf32>
        %get3A_108 = arith.index_cast %add3A_37 : i32 to index
        %get3A_109 = arith.constant 144 : index
        %get3A_110 = tpu.vector_load %arg8[%get3A_108, %get3A_109] {strides = array<i32>} : memref<128x256xf32, #tpu.memory_space<vmem>>, vector<1x16xf32>,
        %get3A_111 = vector.shape_cast %get3A_110 : vector<1x16xf32> to vector<16xf32>
        %mul3A_112 = arith.mulf %broadcast_in_dim3A_101, %get3A_111 : vector<16xf32>
        %add3A_113 = arith.addf %add3A_98, %mul3A_112 : vector<16xf32>
        %slice3A_114 = vector.extract_strided_slice %get3A_33 {offsets = [5], sizes = [1], strides = [1]} : vector<16xf32> to vector<1xf32>
        %squeeze3A_115 = vector.extract %slice3A_114[0] : f32 from vector<1xf32>
        %broadcast_in_dim3A_116 = vector.broadcast %squeeze3A_115 : f32 to vector<16xf32>
        %get3A_117 = arith.index_cast %add3A_37 : i32 to index
        %get3A_118 = arith.constant 160 : index
        %get3A_119 = tpu.vector_load %arg8[%get3A_117, %get3A_118] {strides = array<i32>} : memref<128x256xf32, #tpu.memory_space<vmem>>, vector<1x16xf32>,
        %get3A_120 = vector.shape_cast %get3A_119 : vector<1x16xf32> to vector<16xf32>
        %mul3A_121 = arith.mulf %broadcast_in_dim3A_116, %get3A_120 : vector<16xf32>
        %add3A_122 = arith.addf %add3A_107, %mul3A_121 : vector<16xf32>
        %get3A_123 = arith.index_cast %add3A_37 : i32 to index
        %get3A_124 = arith.constant 176 : index
        %get3A_125 = tpu.vector_load %arg8[%get3A_123, %get3A_124] {strides = array<i32>} : memref<128x256xf32, #tpu.memory_space<vmem>>, vector<1x16xf32>,
        %get3A_126 = vector.shape_cast %get3A_125 : vector<1x16xf32> to vector<16xf32>
        %mul3A_127 = arith.mulf %broadcast_in_dim3A_116, %get3A_126 : vector<16xf32>
        %add3A_128 = arith.addf %add3A_113, %mul3A_127 : vector<16xf32>
        %slice3A_129 = vector.extract_strided_slice %get3A_33 {offsets = [6], sizes = [1], strides = [1]} : vector<16xf32> to vector<1xf32>
        %squeeze3A_130 = vector.extract %slice3A_129[0] : f32 from vector<1xf32>
        %broadcast_in_dim3A_131 = vector.broadcast %squeeze3A_130 : f32 to vector<16xf32>
        %get3A_132 = arith.index_cast %add3A_37 : i32 to index
        %get3A_133 = arith.constant 192 : index
        %get3A_134 = tpu.vector_load %arg8[%get3A_132, %get3A_133] {strides = array<i32>} : memref<128x256xf32, #tpu.memory_space<vmem>>, vector<1x16xf32>,
        %get3A_135 = vector.shape_cast %get3A_134 : vector<1x16xf32> to vector<16xf32>
        %mul3A_136 = arith.mulf %broadcast_in_dim3A_131, %get3A_135 : vector<16xf32>
        %add3A_137 = arith.addf %add3A_122, %mul3A_136 : vector<16xf32>
        %get3A_138 = arith.index_cast %add3A_37 : i32 to index
        %get3A_139 = arith.constant 208 : index
        %get3A_140 = tpu.vector_load %arg8[%get3A_138, %get3A_139] {strides = array<i32>} : memref<128x256xf32, #tpu.memory_space<vmem>>, vector<1x16xf32>,
        %get3A_141 = vector.shape_cast %get3A_140 : vector<1x16xf32> to vector<16xf32>
        %mul3A_142 = arith.mulf %broadcast_in_dim3A_131, %get3A_141 : vector<16xf32>
        %add3A_143 = arith.addf %add3A_128, %mul3A_142 : vector<16xf32>
        %slice3A_144 = vector.extract_strided_slice %get3A_33 {offsets = [7], sizes = [1], strides = [1]} : vector<16xf32> to vector<1xf32>
        %squeeze3A_145 = vector.extract %slice3A_144[0] : f32 from vector<1xf32>
        %broadcast_in_dim3A_146 = vector.broadcast %squeeze3A_145 : f32 to vector<16xf32>
        %get3A_147 = arith.index_cast %add3A_37 : i32 to index
        %get3A_148 = arith.constant 224 : index
        %get3A_149 = tpu.vector_load %arg8[%get3A_147, %get3A_148] {strides = array<i32>} : memref<128x256xf32, #tpu.memory_space<vmem>>, vector<1x16xf32>,
        %get3A_150 = vector.shape_cast %get3A_149 : vector<1x16xf32> to vector<16xf32>
        %mul3A_151 = arith.mulf %broadcast_in_dim3A_146, %get3A_150 : vector<16xf32>
        %add3A_152 = arith.addf %add3A_137, %mul3A_151 : vector<16xf32>
        %get3A_153 = arith.index_cast %add3A_37 : i32 to index
        %get3A_154 = arith.constant 240 : index
        %get3A_155 = tpu.vector_load %arg8[%get3A_153, %get3A_154] {strides = array<i32>} : memref<128x256xf32, #tpu.memory_space<vmem>>, vector<1x16xf32>,
        %get3A_156 = vector.shape_cast %get3A_155 : vector<1x16xf32> to vector<16xf32>
        %mul3A_157 = arith.mulf %broadcast_in_dim3A_146, %get3A_156 : vector<16xf32>
        %add3A_158 = arith.addf %add3A_143, %mul3A_157 : vector<16xf32>
        %swap3A = arith.index_cast %add3A_37 : i32 to index
        %swap3A_159 = arith.constant 0 : index
        %swap3A_160 = tpu.vector_load %arg9[%swap3A, %swap3A_159] {strides = array<i32>} : memref<128x32xf32, #tpu.memory_space<vmem>>, vector<1x16xf32>,
        %swap3A_161 = vector.shape_cast %swap3A_160 : vector<1x16xf32> to vector<16xf32>
        %swap3A_162 = vector.shape_cast %add3A_152 : vector<16xf32> to vector<1x16xf32>
        tpu.vector_store %arg9[%swap3A, %swap3A_159], %swap3A_162 {strides = array<i32>} : memref<128x32xf32, #tpu.memory_space<vmem>>, vector<1x16xf32>,
        %swap3A_163 = arith.index_cast %add3A_37 : i32 to index
        %swap3A_164 = arith.constant 16 : index
        %swap3A_165 = tpu.vector_load %arg9[%swap3A_163, %swap3A_164] {strides = array<i32>} : memref<128x32xf32, #tpu.memory_space<vmem>>, vector<1x16xf32>,
        %swap3A_166 = vector.shape_cast %swap3A_165 : vector<1x16xf32> to vector<16xf32>
        %swap3A_167 = vector.shape_cast %add3A_158 : vector<16xf32> to vector<1x16xf32>
        tpu.vector_store %arg9[%swap3A_163, %swap3A_164], %swap3A_167 {strides = array<i32>} : memref<128x32xf32, #tpu.memory_space<vmem>>, vector<1x16xf32>,
        %mul3A_168 = arith.constant 2 : i32
        %mul3A_169 = arith.muli %scan3A_28, %mul3A_168 : i32
        %add3A_170 = arith.constant 1 : i32
        %add3A_171 = arith.addi %mul3A_169, %add3A_170 : i32
        %broadcast_in_dim3A_172 = arith.constant 0.000000e+00 : f32
        %broadcast_in_dim3A_173 = vector.broadcast %broadcast_in_dim3A_172 : f32 to vector<16xf32>
        %broadcast_in_dim3A_174 = arith.constant 0.000000e+00 : f32
        %broadcast_in_dim3A_175 = vector.broadcast %broadcast_in_dim3A_174 : f32 to vector<16xf32>
        %slice3A_176 = vector.extract_strided_slice %get3A_33 {offsets = [8], sizes = [1], strides = [1]} : vector<16xf32> to vector<1xf32>
        %squeeze3A_177 = vector.extract %slice3A_176[0] : f32 from vector<1xf32>
        %broadcast_in_dim3A_178 = vector.broadcast %squeeze3A_177 : f32 to vector<16xf32>
        %get3A_179 = arith.index_cast %add3A_171 : i32 to index
        %get3A_180 = arith.constant 0 : index
        %get3A_181 = tpu.vector_load %arg8[%get3A_179, %get3A_180] {strides = array<i32>} : memref<128x256xf32, #tpu.memory_space<vmem>>, vector<1x16xf32>,
        %get3A_182 = vector.shape_cast %get3A_181 : vector<1x16xf32> to vector<16xf32>
        %mul3A_183 = arith.mulf %broadcast_in_dim3A_178, %get3A_182 : vector<16xf32>
        %add3A_184 = arith.addf %broadcast_in_dim3A_173, %mul3A_183 : vector<16xf32>
        %get3A_185 = arith.index_cast %add3A_171 : i32 to index
        %get3A_186 = arith.constant 16 : index
        %get3A_187 = tpu.vector_load %arg8[%get3A_185, %get3A_186] {strides = array<i32>} : memref<128x256xf32, #tpu.memory_space<vmem>>, vector<1x16xf32>,
        %get3A_188 = vector.shape_cast %get3A_187 : vector<1x16xf32> to vector<16xf32>
        %mul3A_189 = arith.mulf %broadcast_in_dim3A_178, %get3A_188 : vector<16xf32>
        %add3A_190 = arith.addf %broadcast_in_dim3A_175, %mul3A_189 : vector<16xf32>
        %slice3A_191 = vector.extract_strided_slice %get3A_33 {offsets = [9], sizes = [1], strides = [1]} : vector<16xf32> to vector<1xf32>
        %squeeze3A_192 = vector.extract %slice3A_191[0] : f32 from vector<1xf32>
        %broadcast_in_dim3A_193 = vector.broadcast %squeeze3A_192 : f32 to vector<16xf32>
        %get3A_194 = arith.index_cast %add3A_171 : i32 to index
        %get3A_195 = arith.constant 32 : index
        %get3A_196 = tpu.vector_load %arg8[%get3A_194, %get3A_195] {strides = array<i32>} : memref<128x256xf32, #tpu.memory_space<vmem>>, vector<1x16xf32>,
        %get3A_197 = vector.shape_cast %get3A_196 : vector<1x16xf32> to vector<16xf32>
        %mul3A_198 = arith.mulf %broadcast_in_dim3A_193, %get3A_197 : vector<16xf32>
        %add3A_199 = arith.addf %add3A_184, %mul3A_198 : vector<16xf32>
        %get3A_200 = arith.index_cast %add3A_171 : i32 to index
        %get3A_201 = arith.constant 48 : index
        %get3A_202 = tpu.vector_load %arg8[%get3A_200, %get3A_201] {strides = array<i32>} : memref<128x256xf32, #tpu.memory_space<vmem>>, vector<1x16xf32>,
        %get3A_203 = vector.shape_cast %get3A_202 : vector<1x16xf32> to vector<16xf32>
        %mul3A_204 = arith.mulf %broadcast_in_dim3A_193, %get3A_203 : vector<16xf32>
        %add3A_205 = arith.addf %add3A_190, %mul3A_204 : vector<16xf32>
        %slice3A_206 = vector.extract_strided_slice %get3A_33 {offsets = [10], sizes = [1], strides = [1]} : vector<16xf32> to vector<1xf32>
        %squeeze3A_207 = vector.extract %slice3A_206[0] : f32 from vector<1xf32>
        %broadcast_in_dim3A_208 = vector.broadcast %squeeze3A_207 : f32 to vector<16xf32>
        %get3A_209 = arith.index_cast %add3A_171 : i32 to index
        %get3A_210 = arith.constant 64 : index
        %get3A_211 = tpu.vector_load %arg8[%get3A_209, %get3A_210] {strides = array<i32>} : memref<128x256xf32, #tpu.memory_space<vmem>>, vector<1x16xf32>,
        %get3A_212 = vector.shape_cast %get3A_211 : vector<1x16xf32> to vector<16xf32>
        %mul3A_213 = arith.mulf %broadcast_in_dim3A_208, %get3A_212 : vector<16xf32>
        %add3A_214 = arith.addf %add3A_199, %mul3A_213 : vector<16xf32>
        %get3A_215 = arith.index_cast %add3A_171 : i32 to index
        %get3A_216 = arith.constant 80 : index
        %get3A_217 = tpu.vector_load %arg8[%get3A_215, %get3A_216] {strides = array<i32>} : memref<128x256xf32, #tpu.memory_space<vmem>>, vector<1x16xf32>,
        %get3A_218 = vector.shape_cast %get3A_217 : vector<1x16xf32> to vector<16xf32>
        %mul3A_219 = arith.mulf %broadcast_in_dim3A_208, %get3A_218 : vector<16xf32>
        %add3A_220 = arith.addf %add3A_205, %mul3A_219 : vector<16xf32>
        %slice3A_221 = vector.extract_strided_slice %get3A_33 {offsets = [11], sizes = [1], strides = [1]} : vector<16xf32> to vector<1xf32>
        %squeeze3A_222 = vector.extract %slice3A_221[0] : f32 from vector<1xf32>
        %broadcast_in_dim3A_223 = vector.broadcast %squeeze3A_222 : f32 to vector<16xf32>
        %get3A_224 = arith.index_cast %add3A_171 : i32 to index
        %get3A_225 = arith.constant 96 : index
        %get3A_226 = tpu.vector_load %arg8[%get3A_224, %get3A_225] {strides = array<i32>} : memref<128x256xf32, #tpu.memory_space<vmem>>, vector<1x16xf32>,
        %get3A_227 = vector.shape_cast %get3A_226 : vector<1x16xf32> to vector<16xf32>
        %mul3A_228 = arith.mulf %broadcast_in_dim3A_223, %get3A_227 : vector<16xf32>
        %add3A_229 = arith.addf %add3A_214, %mul3A_228 : vector<16xf32>
        %get3A_230 = arith.index_cast %add3A_171 : i32 to index
        %get3A_231 = arith.constant 112 : index
        %get3A_232 = tpu.vector_load %arg8[%get3A_230, %get3A_231] {strides = array<i32>} : memref<128x256xf32, #tpu.memory_space<vmem>>, vector<1x16xf32>,
        %get3A_233 = vector.shape_cast %get3A_232 : vector<1x16xf32> to vector<16xf32>
        %mul3A_234 = arith.mulf %broadcast_in_dim3A_223, %get3A_233 : vector<16xf32>
        %add3A_235 = arith.addf %add3A_220, %mul3A_234 : vector<16xf32>
        %slice3A_236 = vector.extract_strided_slice %get3A_33 {offsets = [12], sizes = [1], strides = [1]} : vector<16xf32> to vector<1xf32>
        %squeeze3A_237 = vector.extract %slice3A_236[0] : f32 from vector<1xf32>
        %broadcast_in_dim3A_238 = vector.broadcast %squeeze3A_237 : f32 to vector<16xf32>
        %get3A_239 = arith.index_cast %add3A_171 : i32 to index
        %get3A_240 = arith.constant 128 : index
        %get3A_241 = tpu.vector_load %arg8[%get3A_239, %get3A_240] {strides = array<i32>} : memref<128x256xf32, #tpu.memory_space<vmem>>, vector<1x16xf32>,
        %get3A_242 = vector.shape_cast %get3A_241 : vector<1x16xf32> to vector<16xf32>
        %mul3A_243 = arith.mulf %broadcast_in_dim3A_238, %get3A_242 : vector<16xf32>
        %add3A_244 = arith.addf %add3A_229, %mul3A_243 : vector<16xf32>
        %get3A_245 = arith.index_cast %add3A_171 : i32 to index
        %get3A_246 = arith.constant 144 : index
        %get3A_247 = tpu.vector_load %arg8[%get3A_245, %get3A_246] {strides = array<i32>} : memref<128x256xf32, #tpu.memory_space<vmem>>, vector<1x16xf32>,
        %get3A_248 = vector.shape_cast %get3A_247 : vector<1x16xf32> to vector<16xf32>
        %mul3A_249 = arith.mulf %broadcast_in_dim3A_238, %get3A_248 : vector<16xf32>
        %add3A_250 = arith.addf %add3A_235, %mul3A_249 : vector<16xf32>
        %slice3A_251 = vector.extract_strided_slice %get3A_33 {offsets = [13], sizes = [1], strides = [1]} : vector<16xf32> to vector<1xf32>
        %squeeze3A_252 = vector.extract %slice3A_251[0] : f32 from vector<1xf32>
        %broadcast_in_dim3A_253 = vector.broadcast %squeeze3A_252 : f32 to vector<16xf32>
        %get3A_254 = arith.index_cast %add3A_171 : i32 to index
        %get3A_255 = arith.constant 160 : index
        %get3A_256 = tpu.vector_load %arg8[%get3A_254, %get3A_255] {strides = array<i32>} : memref<128x256xf32, #tpu.memory_space<vmem>>, vector<1x16xf32>,
        %get3A_257 = vector.shape_cast %get3A_256 : vector<1x16xf32> to vector<16xf32>
        %mul3A_258 = arith.mulf %broadcast_in_dim3A_253, %get3A_257 : vector<16xf32>
        %add3A_259 = arith.addf %add3A_244, %mul3A_258 : vector<16xf32>
        %get3A_260 = arith.index_cast %add3A_171 : i32 to index
        %get3A_261 = arith.constant 176 : index
        %get3A_262 = tpu.vector_load %arg8[%get3A_260, %get3A_261] {strides = array<i32>} : memref<128x256xf32, #tpu.memory_space<vmem>>, vector<1x16xf32>,
        %get3A_263 = vector.shape_cast %get3A_262 : vector<1x16xf32> to vector<16xf32>
        %mul3A_264 = arith.mulf %broadcast_in_dim3A_253, %get3A_263 : vector<16xf32>
        %add3A_265 = arith.addf %add3A_250, %mul3A_264 : vector<16xf32>
        %slice3A_266 = vector.extract_strided_slice %get3A_33 {offsets = [14], sizes = [1], strides = [1]} : vector<16xf32> to vector<1xf32>
        %squeeze3A_267 = vector.extract %slice3A_266[0] : f32 from vector<1xf32>
        %broadcast_in_dim3A_268 = vector.broadcast %squeeze3A_267 : f32 to vector<16xf32>
        %get3A_269 = arith.index_cast %add3A_171 : i32 to index
        %get3A_270 = arith.constant 192 : index
        %get3A_271 = tpu.vector_load %arg8[%get3A_269, %get3A_270] {strides = array<i32>} : memref<128x256xf32, #tpu.memory_space<vmem>>, vector<1x16xf32>,
        %get3A_272 = vector.shape_cast %get3A_271 : vector<1x16xf32> to vector<16xf32>
        %mul3A_273 = arith.mulf %broadcast_in_dim3A_268, %get3A_272 : vector<16xf32>
        %add3A_274 = arith.addf %add3A_259, %mul3A_273 : vector<16xf32>
        %get3A_275 = arith.index_cast %add3A_171 : i32 to index
        %get3A_276 = arith.constant 208 : index
        %get3A_277 = tpu.vector_load %arg8[%get3A_275, %get3A_276] {strides = array<i32>} : memref<128x256xf32, #tpu.memory_space<vmem>>, vector<1x16xf32>,
        %get3A_278 = vector.shape_cast %get3A_277 : vector<1x16xf32> to vector<16xf32>
        %mul3A_279 = arith.mulf %broadcast_in_dim3A_268, %get3A_278 : vector<16xf32>
        %add3A_280 = arith.addf %add3A_265, %mul3A_279 : vector<16xf32>
        %slice3A_281 = vector.extract_strided_slice %get3A_33 {offsets = [15], sizes = [1], strides = [1]} : vector<16xf32> to vector<1xf32>
        %squeeze3A_282 = vector.extract %slice3A_281[0] : f32 from vector<1xf32>
        %broadcast_in_dim3A_283 = vector.broadcast %squeeze3A_282 : f32 to vector<16xf32>
        %get3A_284 = arith.index_cast %add3A_171 : i32 to index
        %get3A_285 = arith.constant 224 : index
        %get3A_286 = tpu.vector_load %arg8[%get3A_284, %get3A_285] {strides = array<i32>} : memref<128x256xf32, #tpu.memory_space<vmem>>, vector<1x16xf32>,
        %get3A_287 = vector.shape_cast %get3A_286 : vector<1x16xf32> to vector<16xf32>
        %mul3A_288 = arith.mulf %broadcast_in_dim3A_283, %get3A_287 : vector<16xf32>
        %add3A_289 = arith.addf %add3A_274, %mul3A_288 : vector<16xf32>
        %get3A_290 = arith.index_cast %add3A_171 : i32 to index
        %get3A_291 = arith.constant 240 : index
        %get3A_292 = tpu.vector_load %arg8[%get3A_290, %get3A_291] {strides = array<i32>} : memref<128x256xf32, #tpu.memory_space<vmem>>, vector<1x16xf32>,
        %get3A_293 = vector.shape_cast %get3A_292 : vector<1x16xf32> to vector<16xf32>
        %mul3A_294 = arith.mulf %broadcast_in_dim3A_283, %get3A_293 : vector<16xf32>
        %add3A_295 = arith.addf %add3A_280, %mul3A_294 : vector<16xf32>
        %swap3A_296 = arith.index_cast %add3A_171 : i32 to index
        %swap3A_297 = arith.constant 0 : index
        %swap3A_298 = tpu.vector_load %arg9[%swap3A_296, %swap3A_297] {strides = array<i32>} : memref<128x32xf32, #tpu.memory_space<vmem>>, vector<1x16xf32>,
        %swap3A_299 = vector.shape_cast %swap3A_298 : vector<1x16xf32> to vector<16xf32>
        %swap3A_300 = vector.shape_cast %add3A_289 : vector<16xf32> to vector<1x16xf32>
        tpu.vector_store %arg9[%swap3A_296, %swap3A_297], %swap3A_300 {strides = array<i32>} : memref<128x32xf32, #tpu.memory_space<vmem>>, vector<1x16xf32>,
        %swap3A_301 = arith.index_cast %add3A_171 : i32 to index
        %swap3A_302 = arith.constant 16 : index
        %swap3A_303 = tpu.vector_load %arg9[%swap3A_301, %swap3A_302] {strides = array<i32>} : memref<128x32xf32, #tpu.memory_space<vmem>>, vector<1x16xf32>,
        %swap3A_304 = vector.shape_cast %swap3A_303 : vector<1x16xf32> to vector<16xf32>
        %swap3A_305 = vector.shape_cast %add3A_295 : vector<16xf32> to vector<1x16xf32>
        tpu.vector_store %arg9[%swap3A_301, %swap3A_302], %swap3A_305 {strides = array<i32>} : memref<128x32xf32, #tpu.memory_space<vmem>>, vector<1x16xf32>,
        %scan3A_306 = arith.constant 0 : i32
        scf.yield %scan3A_306 : i32
      }
      %scan3A_26 = arith.constant 64 : i32
      "tpu.region"() ({
        %run_scoped3A = tpu.sem_alloc : memref<!tpu.dma_semaphore, #tpu.memory_space<semaphore_mem>>
        %dma_start3A_28 = arith.constant 0 : i32
        %dma_start3A_29 = tpu.memref_slice %arg5[%add3A_13, %dma_start3A_28] : memref<303104x32xf32, #tpu.memory_space<hbm>> -> memref<128x32xf32, #tpu.memory_space<hbm>>
        %dma_start3A_30 = arith.constant 0 : i32
        %dma_start3A_31 = tpu.memref_slice %arg5[%add3A_13, %dma_start3A_30] : memref<303104x32xf32, #tpu.memory_space<hbm>> -> memref<128x32xf32, #tpu.memory_space<hbm>>
        tpu.enqueue_dma source(%arg9 : memref<128x32xf32, #tpu.memory_space<vmem>>) target(%dma_start3A_31 : memref<128x32xf32, #tpu.memory_space<hbm>>) target_semaphore(%run_scoped3A : memref<!tpu.dma_semaphore, #tpu.memory_space<semaphore_mem>>)
        %dma_wait3A_32 = arith.constant 0 : i32
        %dma_wait3A_33 = tpu.memref_slice %arg5[%add3A_13, %dma_wait3A_32] : memref<303104x32xf32, #tpu.memory_space<hbm>> -> memref<128x32xf32, #tpu.memory_space<hbm>>
        %dma_wait3A_34 = arith.constant 0 : i32
        %dma_wait3A_35 = tpu.memref_slice %arg5[%add3A_13, %dma_wait3A_34] : memref<303104x32xf32, #tpu.memory_space<hbm>> -> memref<128x32xf32, #tpu.memory_space<hbm>>
        tpu.wait_dma2 semaphore(%run_scoped3A : memref<!tpu.dma_semaphore, #tpu.memory_space<semaphore_mem>>) src(%arg9 : memref<128x32xf32, #tpu.memory_space<vmem>>) dst(%dma_wait3A_35 : memref<128x32xf32, #tpu.memory_space<hbm>>)
        tpu.yield
      }) : () -> ()
      %scan3A_27 = arith.constant 0 : i32
      scf.yield %scan3A_27 : i32
    }
    %scan3A_8 = arith.constant 74 : i32
    return
  }
}

module attributes {stable_mosaic.version = 14 : i64} {
  func.func @_mm_body(%arg0: i32, %arg1: memref<2000x128xf32, #tpu.memory_space<vmem>>, %arg2: memref<128x256xf32, #tpu.memory_space<vmem>>, %arg3: memref<2000x256xf32, #tpu.memory_space<vmem>>) attributes {dimension_semantics = [#tpu.dimension_semantics<arbitrary>], iteration_bounds = array<i64: 50>, scalar_prefetch = 0 : i64, scratch_operands = 0 : i64, tpu.core_type = #tpu.core_type<tc>, window_params = [{transform_indices = @transform_0, window_bounds = array<i64: 2000, 128>}, {pipeline_mode = #tpu.pipeline_mode<synchronous>, transform_indices = @transform_1, window_bounds = array<i64: 128, 256>}, {transform_indices = @transform_2, window_bounds = array<i64: 2000, 256>}]} {
    %get3A = arith.constant 0 : index
    %get3A_0 = arith.constant 0 : index
    %get3A_1 = vector.load %arg1[%get3A, %get3A_0] : memref<2000x128xf32, #tpu.memory_space<vmem>>, vector<2000x128xf32>
    %get3A_2 = arith.constant 0 : index
    %get3A_3 = arith.constant 0 : index
    %get3A_4 = vector.load %arg2[%get3A_2, %get3A_3] : memref<128x256xf32, #tpu.memory_space<vmem>>, vector<128x256xf32>
    %dot_general3A = arith.constant dense<0.000000e+00> : vector<2000x256xf32>
    %dot_general3A_5 = tpu.matmul %get3A_1, %get3A_4, %dot_general3A {dimension_numbers = #tpu.dot_dimension_numbers<[1], [0], [0], [1], [0, 0, 1, 1], [], []>, transpose_lhs_hint = false} : vector<2000x128xf32>, vector<128x256xf32>, vector<2000x256xf32> -> vector<2000x256xf32>
    %swap3A = arith.constant 0 : index
    %swap3A_6 = arith.constant 0 : index
    %swap3A_7 = vector.load %arg3[%swap3A, %swap3A_6] : memref<2000x256xf32, #tpu.memory_space<vmem>>, vector<2000x256xf32>
    tpu.vector_store %arg3[%swap3A, %swap3A_6], %dot_general3A_5 {strides = array<i32>} : memref<2000x256xf32, #tpu.memory_space<vmem>>, vector<2000x256xf32>,
    return
  }
  func.func @transform_0(%arg0: i32) -> (i32, i32) {
    %c0_i32 = arith.constant 0 : i32
    %c0_i32_0 = arith.constant 0 : i32
    return %arg0, %c0_i32 : i32, i32
  }
  func.func @transform_1(%arg0: i32) -> (i32, i32) {
    %c0_i32 = arith.constant 0 : i32
    %c0_i32_0 = arith.constant 0 : i32
    %c0_i32_1 = arith.constant 0 : i32
    return %c0_i32, %c0_i32_0 : i32, i32
  }
  func.func @transform_2(%arg0: i32) -> (i32, i32) {
    %c0_i32 = arith.constant 0 : i32
    %c0_i32_0 = arith.constant 0 : i32
    return %arg0, %c0_i32 : i32, i32
  }
}

</mosaic_0001>

<sc_bundles>
// kernel: kernel.4.cloned.1.call-start
scs
__scs_entry_jumppad:
0x0: {  	(pc) =	sbr.rel $0x88, $3  }
0x1: {  	(tag) =	ssettag $0x0;
	lr =	simm.s32 $0x1  }
0x2: {  	[smem:$0x3F9D] =	sst lr;
	_ =	strace $0xD0000000  }
0x3: {  	_ = 	snop  }
0x4: {  	_ = 	snop  }
0x5: {  	_ = 	snop  }
0x6: {  	_ = 	snop  }
0x7: {  	_ = 	snop  }
__scs_overlays_trampoline_lowered:
0x8: {  	[smem:$0x3FAC] =	sst s0  }
0x9: {  	[smem:$0x3FAD] =	sst s1  }
0xa: {  	[smem:$0x3FAE] =	sst s2  }
0xb: {  	[smem:$0x3FAF] =	sst s3  }
0xc: {  	[smem:$0x3FB0] =	sst s4  }
0xd: {  	[smem:$0x3FB1] =	sst s5  }
0xe: {  	[smem:$0x3FB2] =	sst s6  }
0xf: {  	[smem:$0x3FB3] =	sst s7  }
0x10: {  	[smem:$0x3FB4] =	sst s8  }
0x11: {  	[smem:$0x3FB5] =	sst s9;
	s0 =	simm.s32 @!p0 $0x0  }
0x12: {  	s1 =	sld [smem:$0x3F9B];
	s0 =	simm.s32 @p0 $0x1  }
0x13: {  	[smem:$0x3FB6] =	sst s0;
	s0 =	simm.s32 @!p1 $0x0  }
0x14: {  	s2 =	sld [smem:$0x3F9A];
	s0 =	simm.s32 @p1 $0x1  }
0x15: {  	[smem:$0x3FB7] =	sst s0;
	s0 =	simm.s32 @!p2 $0x0  }
0x16: {  	s3 =	sld [smem:$0x3FDB];
	s0 =	simm.s32 @p2 $0x1  }
0x17: {  	s4 =	simm.s32 $0x1BF5;
	[smem:$0x3FB9] =	sst s0  }
0x18: {  	s0 =	sld [smem:$0x3F9C];
	_ =	swait.ge [sflag:s4], $0x0  }
0x19: {  	s7 =	sld [smem:$0x3F9D]  }
0x1a: {  	s8 =	sadd.s32 $0xFFFFE003, lr  }
0x1b: {  	s9 =	sadd.s32 $0xFFFFFEF7, lr;
	s5 =	simm.s32 $0xFFFFFFFF;
	p2 =	slt.u32 s8, $0xFFFFF086  }
0x1c: {  	p1 =	slt.u32 s9, $0xF7A;
	s5 =	simm.s32 @!p2 $0x0  }
0x1d: {  	s5 =	simm.s32 @p1 $0x1;
	p0 =	seq.s32 s7, s2  }
0x1e: {  	s7 =	smul.u32 @!p0 $0xF7A, s2;
	p2 =	seq.s32 @!p0 s5, $0x0  }
0x1f: {  	s9 =	smul.u32 $0xF7A, s1;
	s8 =	simm.s32 @!p0 $0x1BF5;
	p2 =	por !p2, p0  }
0x20: {  	[sflag:s8] =	ssyncset.s32 @!p0 $0xFFFFF086;
	s6 =	sadd.s32 @!p0 s3, s7;
	s7 =	simm.s32 @!p0 $0x108  }
0x21: {  	s3 =	sadd.s32 s3, s9;
	s6 =	sadd.s32 @!p0 $0x88, s6;
	s7 =	simm.s32 @p2 $0x1082  }
0x22: {  	[simem:s7], [sflag:s8] =	dma.local @!p0 [hbm:s6], $0xF7A  }
0x23: {  	s9 =	sor.u32 $0xD0000000, s2;
	s6 =	simm.s32 $0x108;
	_ =	swait.ge @!p0 [sflag:s8], $0x0  }
0x24: {  	s3 =	sadd.s32 $0x88, s3;
	s6 =	simm.s32 @!p1 $0x1082;
	[sflag:s4] =	ssyncset.s32 $0xFFFFF086  }
0x25: {  	[simem:s6], [sflag:s4] =	dma.local [hbm:s3], $0xF7A  }
0x26: {  	[smem:$0x3F9D] =	sst s1;
	(tag) =	ssettag s2;
	_ =	strace s9  }
0x27: {  	s1 =	sld [smem:$0x3FAD]  }
0x28: {  	s2 =	sld [smem:$0x3FAE]  }
0x29: {  	s4 =	sld [smem:$0x3FB0]  }
0x2a: {  	p0 =	seq.s32 s5, $0x0;
	s5 =	sld [smem:$0x3FB1]  }
0x2b: {  	s6 =	sld [smem:$0x3FB2]  }
0x2c: {  	s7 =	sld [smem:$0x3FB3]  }
0x2d: {  	s3 =	simm.s32 $0x108;
	s8 =	sld [smem:$0x3FB4]  }
0x2e: {  	s3 =	simm.s32 @!p0 $0x1082;
	s9 =	sld [smem:$0x3FB5]  }
0x2f: {  	lr =	sadd.s32 s0, s3;
	s0 =	sld [smem:$0x3FAC]  }
0x30: {  	s3 =	sld [smem:$0x3FAF]  }
0x31: {  	[smem:$0x3FB8] =	sst s10  }
0x32: {  	s10 =	sld [smem:$0x3FB6];
	_ =	sdelay $0x3  }
0x33: {  	p0 =	seq.s32 s10, $0x1;
	s10 =	sld [smem:$0x3FB8];
	_ =	sdelay $0x3  }
0x34: {  	[smem:$0x3FB8] =	sst s10  }
0x35: {  	s10 =	sld [smem:$0x3FB7];
	_ =	sdelay $0x3  }
0x36: {  	p1 =	seq.s32 s10, $0x1;
	s10 =	sld [smem:$0x3FB8];
	_ =	sdelay $0x3  }
0x37: {  	[smem:$0x3FB8] =	sst s10  }
0x38: {  	s10 =	sld [smem:$0x3FB9]  }
0x39: {  	_ = 	snop;
	(pc) =	sbr.ind lr, $3  }
0x3a: {  	_ = 	snop  }
0x3b: {  	_ = 	snop  }
0x3c: {  	p2 =	seq.s32 s10, $0x1;
	s10 =	sld [smem:$0x3FB8]  }
0x3d: {  	_ =	shalt  }
0x3e: {  	_ =	shalt  }
0x3f: {  	_ =	shalt  }
0x40: {  	_ =	shalt  }
0x41: {  	_ =	shalt  }
0x42: {  	_ =	shalt  }
0x43: {  	_ =	shalt  }
0x44: {  	_ =	shalt  }
0x45: {  	_ =	shalt  }
0x46: {  	_ =	shalt  }
0x47: {  	_ =	shalt  }
0x48: {  	_ =	shalt  }
0x49: {  	_ =	shalt  }
0x4a: {  	_ =	shalt  }
0x4b: {  	_ =	shalt  }
0x4c: {  	_ =	shalt  }
0x4d: {  	_ =	shalt  }
0x4e: {  	_ =	shalt  }
0x4f: {  	_ =	shalt  }
0x50: {  	_ =	shalt  }
0x51: {  	_ =	shalt  }
0x52: {  	_ =	shalt  }
0x53: {  	_ =	shalt  }
0x54: {  	_ =	shalt  }
0x55: {  	_ =	shalt  }
0x56: {  	_ =	shalt  }
0x57: {  	_ =	shalt  }
0x58: {  	_ =	shalt  }
0x59: {  	_ =	shalt  }
0x5a: {  	_ =	shalt  }
0x5b: {  	_ =	shalt  }
0x5c: {  	_ =	shalt  }
0x5d: {  	_ =	shalt  }
0x5e: {  	_ =	shalt  }
0x5f: {  	_ =	shalt  }
0x60: {  	_ =	shalt  }
0x61: {  	_ =	shalt  }
0x62: {  	_ =	shalt  }
0x63: {  	_ =	shalt  }
0x64: {  	_ =	shalt  }
0x65: {  	_ =	shalt  }
0x66: {  	_ =	shalt  }
0x67: {  	_ =	shalt  }
0x68: {  	_ =	shalt  }
0x69: {  	_ =	shalt  }
0x6a: {  	_ =	shalt  }
0x6b: {  	_ =	shalt  }
0x6c: {  	_ =	shalt  }
0x6d: {  	_ =	shalt  }
0x6e: {  	_ =	shalt  }
0x6f: {  	_ =	shalt  }
0x70: {  	_ =	shalt  }
0x71: {  	_ =	shalt  }
0x72: {  	_ =	shalt  }
0x73: {  	_ =	shalt  }
0x74: {  	_ =	shalt  }
0x75: {  	_ =	shalt  }
0x76: {  	_ =	shalt  }
0x77: {  	_ =	shalt  }
0x78: {  	_ =	shalt  }
0x79: {  	_ =	shalt  }
0x7a: {  	_ =	shalt  }
0x7b: {  	_ =	shalt  }
0x7c: {  	_ =	shalt  }
0x7d: {  	_ =	shalt  }
0x7e: {  	_ =	shalt  }
0x7f: {  	_ =	shalt  }
0x80: {  	_ =	shalt  }
0x81: {  	_ =	shalt  }
0x82: {  	_ =	shalt  }
0x83: {  	_ =	shalt  }
0x84: {  	_ =	shalt  }
0x85: {  	_ =	shalt  }
0x86: {  	_ =	shalt  }
0x87: {  	_ =	shalt  }
.Lfunc_end0:
.L_simem_size_0:
called_computation.1_lowered:
.L_overlay_start_0:
0x88: {  	s2 =	sld [smem:$0x3FD9]  }
0x89: {  	s3 =	sld [smem:$0x3FFE];
	_ =	sdelay $0x1  }
0x8a: {  	s1 =	srdreg.scid  }
0x8b: {  	s0 =	sand.u32 $0x1, s1  }
0x8c: {  	s17 =	sshll.u32 s0, $0xA;
	s2 =	sadd.s32 s3, s2  }
0x8d: {  	s2 =	sadd.s32 s2, s17  }
0x8e: {  	[smem:$0x3FC4] =	sst s2  }
0x8f: {  	_ = 	snop  }
0x90: {  	s2 =	sld [smem:$0x3FD0];
	(tm) =	ssettm $0x1  }
0x91: {  	s18 =	sld [smem:$0x3FFB];
	_ =	sdelay $0x3  }
0x92: {  	_ =	strace s18  }
0x93: {  	s3 =	sld [smem:$0x3FFC];
	_ =	sdelay $0x3  }
0x94: {  	_ =	strace s3  }
0x95: {  	s3 =	sld [smem:$0x3FFD];
	_ =	sdelay $0x3  }
0x96: {  	_ =	strace s3  }
0x97: {  	_ =	strace $0x8FFFFFFF  }
0x98: {  	s19 =	sld [smem:$0x3FDB];
	_ =	sdelay $0x1  }
0x99: {  	s4 =	simm.s32 $_scs_section_size  }
0x9a: {  	s5 =	simm.s32 $_size__tile_overlayer_lowered;
	s6 =	simm.s32 $_tile_overlayer_lowered  }
0x9b: {  	s22 =	simm.s32 $0x1BFF;
	s21 =	sshll.u32 s6, $0x1;
	s3 =	sadd.s32 s4, s19  }
0x9c: {  	s7 =	simm.s32 $0x0;
	s20 =	sshll.u32 s5, $0x1;
	s5 =	sadd.s32 s21, s3  }
0x9d: {  	[timem:s7], [sflag:s22] =	dma.local [hbm:s5], s20  }
0x9e: {  	_ =	swait.ge [sflag:s22], s20  }
0x9f: {  	s4 =	ssub.s32 $0x0, s20;
	[sflag:s22] =	ssyncset.done $0x0  }
0xa0: {  	[sflag:s22] =	ssyncadd.s32 s4;
	_ =	sdelay $0x1  }
0xa1: {  	s23 =	simm.s32 $0x1B8B  }
0xa2: {  	_ =	swait.ge [sflag:s23], $0x1  }
0xa3: {  	[sflag:s23] =	ssyncset.done $0x0  }
0xa4: {  	s25 =	simm.s32 $0x1B8E;
	s24 =	sld [smem:$0x3FFE];
	[sflag:s23] =	ssyncadd.s32 $0xFFFFFFFF  }
0xa5: {  	s26 =	simm.s32 $execute0_lowered;
	[smem:$0x3FD2] =	sst s25  }
0xa6: {  	s5 =	sshll.u32 s26, $0x1;
	_ =	strace $0x80000046;
	[dreg:$0x1] =	wrdreg $0xFFFFFFFF  }
0xa7: {  	s28 =	simm.s32 $_size_execute0_lowered;
	s3 =	sadd.s32 s3, s5;
	[dreg:$0x0] =	wrdreg $0x0  }
0xa8: {  	s5 =	sshll.u32 s28, $0x1;
	[dreg:$0x2] =	wrdreg s3  }
0xa9: {  	[dreg:$0x3] =	wrdreg s5  }
0xaa: {  	[dreg:$0x4] =	wrdreg $0xC0  }
0xab: {  	_ =	task [dreg:s7], $0x5FFFF  }
0xac: {  	[dreg:$0x1] =	wrdreg $0xFFFFFFFF  }
0xad: {  	[dreg:$0x0] =	wrdreg $0x60  }
0xae: {  	[dreg:$0x2] =	wrdreg s24  }
0xaf: {  	[dreg:$0x3] =	wrdreg s2  }
0xb0: {  	[dreg:$0x4] =	wrdreg $0x9  }
0xb1: {  	_ =	task.clear_ibuf [dreg:s7], $0x5FFFF;
	_ =	strace $0x90000046  }
0xb2: {  	s29 =	simm.s32 $0x9;
	_ =	strace $0x80000048  }
0xb3: {  	_ =	swait.ge [sflag:s29], $0x1  }
0xb4: {  	[sflag:s29] =	ssyncadd.s32 $0xFFFFFFFF  }
0xb5: {  	_ =	strace $0x90000048  }
0xb6: {  	_ =	sfence  }
0xb7: {  	s30 =	sld [smem:$0x0];
	_ =	sdelay $0x2  }
0xb8: {  	s31 =	sshll.u32 s1, $0xD;
	s1 =	sshrl.u32 s1, $0x2  }
0xb9: {  	s3 =	sand.u32 $0x4000, s31;
	s1 =	sadd.s32 s1, s30  }
0xba: {  	s0 =	sor.u32 s3, s0;
	s1 =	sshll.u32 s1, $0x11  }
0xbb: {  	s0 =	sor.u32 s1, s0  }
0xbc: {  	s0 =	sadd.s32 $0x8F2B, s0  }
0xbd: {  	[sflag:s0] =	ssyncadd.remote.s32 $0x1  }
0xbe: {  	_ =	sfence.sel $0xFFFF  }
0xbf: {  	[dreg:$0x0] =	wrdreg $0xFFFFFFFF;
	(pc) =	sbr.abs _section_cstart, $3  }
0xc0: {  	[dreg:$0x1] =	wrdreg $0xFFFFFFFF  }
0xc1: {  	_ =	task.clear_ibuf [dreg:s7], $0x2FFFF;
	_ =	strace $0x9FFFFFFF  }
0xc2: {  	(tm) =	ssettm $0x7FFFFFFF  }
0xc3: {  	_ =	shalt  }
tec
execute0_lowered:
.L_overlay_start_1:
0x0: {  	(tag) =	ssettag $0x1  }
0x1: {  	s0 =	rddreg [dreg:$0x0];
	s1 =	simm.s32 $0x0;
	s30 =	srdreg.scid  }
0x2: {  	s3 =	stileid.u32;
	s9 =	simm.s32 $0x2;
	s12 =	simm.s32 $0x1480  }
0x3: {  	s13 =	simm.s32 $0x1C80;
	s14 =	simm.s32 $0x2480;
	s15 =	simm.s32 $0x2C80  }
0x4: {  	s16 =	simm.s32 $0x3480;
	s17 =	simm.s32 $0x3C80;
	s18 =	simm.s32 $0x4480  }
0x5: {  	s19 =	simm.s32 $0x4C80;
	s20 =	simm.s32 $0x5480;
	s21 =	simm.s32 $0x5C80  }
0x6: {  	s22 =	simm.s32 $0x6480;
	s23 =	simm.s32 $0x6C80;
	s24 =	simm.s32 $0x7480  }
0x7: {  	s25 =	simm.s32 $0x7C80;
	[smem:$0x7FF] =	sst s1;
	s1 =	sand.u32 $0x1, s30  }
0x8: {  	s26 =	simm.s32 $0x1;
	s28 =	simm.s32 $0x8480;
	s2 =	ssub.s32 $0x2, s1  }
0x9: {  	s4 =	sadd.s32 $0x9E00, s0;
	s3 =	sshll.u32 s3, $0x1;
	s7 =	sshrl.u32 s2, $0x1  }
0xa: {  	v2 =	vlaneseq.u32;
	s5 =	sadd.s32 $0xA00, s0;
	s6 =	sadd.s32 $0x317200, s0;
	s31 =	ssub.s32 s2, s7  }
0xb: {  	vm0 =	vmmov $0xffff;
	v1 =	vshrl.u32 v2, $0x3;
	_ =	strace $0x80000047;
	s1 =	sor.u32 s1, s3;
	s0 =	smax.u32 s31, $0x1  }
0xc: {  	v0 =	vand.u32 $0x7, v2;
	v2 =	vor.u32 $0x8, v2;
	v1 =	vmul.u32 $0x8, v1;
	s7 =	smul.u32 $0x2500, s1;
	s1 =	simm.s32 $0x0;
	[dreg:$0x3] =	wrdreg s0  }
.LBB2_1:
0xd: {  	[dreg:$0x4] =	wrdreg s1;
	s30 =	simm.s32 $0x0  }
.LBB2_2:
0xe: {  	s0 =	sshll.u32 s30, $0x7  }
0xf: {  	s31 =	sadd.s32 s7, s0  }
0x10: {  	s0 =	sshrl.u32 s31, $0x3  }
0x11: {  	s1 =	sadd.s32 s5, s0;
	s0 =	simm.s32 $0x0  }
0x12: {  	[tilespmem:s0], [sflag:$0x2] =	stream.linear.gather [hbm4b:s1+s0], $0x80, $0x38;
	[tilespmem:$0xC480] =	vst v63  }
0x13: {  	_ =	swait.ge [sflag:s9], $0x80  }
0x14: {  	[sflag:s9] =	ssyncset.done $0x0  }
0x15: {  	[sflag:s9] =	ssyncadd.s32 $0xFFFFFF80  }
0x16: {  	s2 =	rddreg [dreg:$0x1]  }
0x17: {  	s1 =	sadd.s32 s2, s31;
	s2 =	simm.s32 $0x80  }
0x18: {  	[tilespmem:s2], [sflag:$0x2] =	stream.linear.gather [hbm4b:s1+s0], $0x400, $0x38;
	[tilespmem:$0xC480] =	vst v63  }
0x19: {  	_ =	swait.ge [sflag:s9], $0x400  }
0x1a: {  	[sflag:s9] =	ssyncset.done $0x0  }
0x1b: {  	[sflag:s9] =	ssyncadd.s32 $0xFFFFFC00  }
0x1c: {  	v3 =	vld [tilespmem:$0x0];
	_ =	sdelay $0x4  }
0x1d: {  	v4 =	vshll.u32 v3, $0x1  }
0x1e: {  	v3 =	vand.u32 $0x7, v3;
	v4 =	vand.u32 $0xFFFFFFF0, v4  }
0x1f: {  	v3 =	vor.u32 v3, v4  }
0x20: {  	v4 =	vperm.xlane v3, v0;
	_ =	sdelay $0x1  }
0x21: {  	v3 =	vperm.xlane v3, v2;
	v4 =	vadd.s32 v1, v4;
	_ =	sdelay $0x1  }
0x22: {  	v3 =	vadd.s32 v1, v3;
	_ =	sdelay $0x1  }
0x23: {  	s3 =	simm.s32 $0x480  }
0x24: {  	[tilespmem:s3], [sflag:$0x1] =	stream.indirect_vreg.gather [hbm4b:s4+s0], $0x80, v4, vm0, $0xb8;
	[tilespmem:$0xC480] =	vst v63  }
0x25: {  	s8 =	simm.s32 $0xC80  }
0x26: {  	[tilespmem:s8], [sflag:$0x1] =	stream.indirect_vreg.gather [hbm4b:s4+s0], $0x80, v3, vm0, $0xb8;
	[tilespmem:$0xC480] =	vst v63  }
0x27: {  	v3 =	vld [tilespmem:$0x10];
	_ =	sdelay $0x4  }
0x28: {  	v4 =	vshll.u32 v3, $0x1  }
0x29: {  	v3 =	vand.u32 $0x7, v3;
	v4 =	vand.u32 $0xFFFFFFF0, v4  }
0x2a: {  	v3 =	vor.u32 v3, v4  }
0x2b: {  	v4 =	vperm.xlane v3, v0;
	_ =	sdelay $0x1  }
0x2c: {  	v3 =	vperm.xlane v3, v2;
	v4 =	vadd.s32 v1, v4;
	_ =	sdelay $0x1  }
0x2d: {  	v3 =	vadd.s32 v1, v3;
	_ =	sdelay $0x2  }
0x2e: {  	[tilespmem:s12], [sflag:$0x1] =	stream.indirect_vreg.gather [hbm4b:s4+s0], $0x80, v4, vm0, $0xb8;
	[tilespmem:$0xC480] =	vst v63  }
0x2f: {  	_ = 	snop  }
0x30: {  	[tilespmem:s13], [sflag:$0x1] =	stream.indirect_vreg.gather [hbm4b:s4+s0], $0x80, v3, vm0, $0xb8;
	[tilespmem:$0xC480] =	vst v63  }
0x31: {  	v3 =	vld [tilespmem:$0x20];
	_ =	sdelay $0x4  }
0x32: {  	v4 =	vshll.u32 v3, $0x1  }
0x33: {  	v3 =	vand.u32 $0x7, v3;
	v4 =	vand.u32 $0xFFFFFFF0, v4  }
0x34: {  	v3 =	vor.u32 v3, v4  }
0x35: {  	v4 =	vperm.xlane v3, v0;
	_ =	sdelay $0x1  }
0x36: {  	v3 =	vperm.xlane v3, v2;
	v4 =	vadd.s32 v1, v4;
	_ =	sdelay $0x1  }
0x37: {  	v3 =	vadd.s32 v1, v3;
	_ =	sdelay $0x2  }
0x38: {  	[tilespmem:s14], [sflag:$0x1] =	stream.indirect_vreg.gather [hbm4b:s4+s0], $0x80, v4, vm0, $0xb8;
	[tilespmem:$0xC480] =	vst v63  }
0x39: {  	_ = 	snop  }
0x3a: {  	[tilespmem:s15], [sflag:$0x1] =	stream.indirect_vreg.gather [hbm4b:s4+s0], $0x80, v3, vm0, $0xb8;
	[tilespmem:$0xC480] =	vst v63  }
0x3b: {  	v3 =	vld [tilespmem:$0x30];
	_ =	sdelay $0x4  }
0x3c: {  	v4 =	vshll.u32 v3, $0x1  }
0x3d: {  	v3 =	vand.u32 $0x7, v3;
	v4 =	vand.u32 $0xFFFFFFF0, v4  }
0x3e: {  	v3 =	vor.u32 v3, v4  }
0x3f: {  	v4 =	vperm.xlane v3, v0;
	_ =	sdelay $0x1  }
0x40: {  	v3 =	vperm.xlane v3, v2;
	v4 =	vadd.s32 v1, v4;
	_ =	sdelay $0x1  }
0x41: {  	v3 =	vadd.s32 v1, v3;
	_ =	sdelay $0x2  }
0x42: {  	[tilespmem:s16], [sflag:$0x1] =	stream.indirect_vreg.gather [hbm4b:s4+s0], $0x80, v4, vm0, $0xb8;
	[tilespmem:$0xC480] =	vst v63  }
0x43: {  	_ = 	snop  }
0x44: {  	[tilespmem:s17], [sflag:$0x1] =	stream.indirect_vreg.gather [hbm4b:s4+s0], $0x80, v3, vm0, $0xb8;
	[tilespmem:$0xC480] =	vst v63  }
0x45: {  	v3 =	vld [tilespmem:$0x40];
	_ =	sdelay $0x4  }
0x46: {  	v4 =	vshll.u32 v3, $0x1  }
0x47: {  	v3 =	vand.u32 $0x7, v3;
	v4 =	vand.u32 $0xFFFFFFF0, v4  }
0x48: {  	v3 =	vor.u32 v3, v4  }
0x49: {  	v4 =	vperm.xlane v3, v0;
	_ =	sdelay $0x1  }
0x4a: {  	v3 =	vperm.xlane v3, v2;
	v4 =	vadd.s32 v1, v4;
	_ =	sdelay $0x1  }
0x4b: {  	v3 =	vadd.s32 v1, v3;
	_ =	sdelay $0x2  }
0x4c: {  	[tilespmem:s18], [sflag:$0x1] =	stream.indirect_vreg.gather [hbm4b:s4+s0], $0x80, v4, vm0, $0xb8;
	[tilespmem:$0xC480] =	vst v63  }
0x4d: {  	_ = 	snop  }
0x4e: {  	[tilespmem:s19], [sflag:$0x1] =	stream.indirect_vreg.gather [hbm4b:s4+s0], $0x80, v3, vm0, $0xb8;
	[tilespmem:$0xC480] =	vst v63  }
0x4f: {  	v3 =	vld [tilespmem:$0x50];
	_ =	sdelay $0x4  }
0x50: {  	v4 =	vshll.u32 v3, $0x1  }
0x51: {  	v3 =	vand.u32 $0x7, v3;
	v4 =	vand.u32 $0xFFFFFFF0, v4  }
0x52: {  	v3 =	vor.u32 v3, v4  }
0x53: {  	v4 =	vperm.xlane v3, v0;
	_ =	sdelay $0x1  }
0x54: {  	v3 =	vperm.xlane v3, v2;
	v4 =	vadd.s32 v1, v4;
	_ =	sdelay $0x1  }
0x55: {  	v3 =	vadd.s32 v1, v3;
	_ =	sdelay $0x2  }
0x56: {  	[tilespmem:s20], [sflag:$0x1] =	stream.indirect_vreg.gather [hbm4b:s4+s0], $0x80, v4, vm0, $0xb8;
	[tilespmem:$0xC480] =	vst v63  }
0x57: {  	_ = 	snop  }
0x58: {  	[tilespmem:s21], [sflag:$0x1] =	stream.indirect_vreg.gather [hbm4b:s4+s0], $0x80, v3, vm0, $0xb8;
	[tilespmem:$0xC480] =	vst v63  }
0x59: {  	v3 =	vld [tilespmem:$0x60];
	_ =	sdelay $0x4  }
0x5a: {  	v4 =	vshll.u32 v3, $0x1  }
0x5b: {  	v3 =	vand.u32 $0x7, v3;
	v4 =	vand.u32 $0xFFFFFFF0, v4  }
0x5c: {  	v3 =	vor.u32 v3, v4  }
0x5d: {  	v4 =	vperm.xlane v3, v0;
	_ =	sdelay $0x1  }
0x5e: {  	v3 =	vperm.xlane v3, v2;
	v4 =	vadd.s32 v1, v4;
	_ =	sdelay $0x1  }
0x5f: {  	v3 =	vadd.s32 v1, v3;
	_ =	sdelay $0x2  }
0x60: {  	[tilespmem:s22], [sflag:$0x1] =	stream.indirect_vreg.gather [hbm4b:s4+s0], $0x80, v4, vm0, $0xb8;
	[tilespmem:$0xC480] =	vst v63  }
0x61: {  	_ = 	snop  }
0x62: {  	[tilespmem:s23], [sflag:$0x1] =	stream.indirect_vreg.gather [hbm4b:s4+s0], $0x80, v3, vm0, $0xb8;
	[tilespmem:$0xC480] =	vst v63  }
0x63: {  	v3 =	vld [tilespmem:$0x70];
	_ =	sdelay $0x4  }
0x64: {  	v4 =	vshll.u32 v3, $0x1  }
0x65: {  	v3 =	vand.u32 $0x7, v3;
	v4 =	vand.u32 $0xFFFFFFF0, v4  }
0x66: {  	v3 =	vor.u32 v3, v4  }
0x67: {  	v4 =	vperm.xlane v3, v0;
	_ =	sdelay $0x1  }
0x68: {  	v3 =	vperm.xlane v3, v2;
	v4 =	vadd.s32 v1, v4;
	_ =	sdelay $0x1  }
0x69: {  	v3 =	vadd.s32 v1, v3;
	_ =	sdelay $0x2  }
0x6a: {  	[tilespmem:s24], [sflag:$0x1] =	stream.indirect_vreg.gather [hbm4b:s4+s0], $0x80, v4, vm0, $0xb8;
	[tilespmem:$0xC480] =	vst v63  }
0x6b: {  	_ = 	snop  }
0x6c: {  	[tilespmem:s25], [sflag:$0x1] =	stream.indirect_vreg.gather [hbm4b:s4+s0], $0x80, v3, vm0, $0xb8;
	[tilespmem:$0xC480] =	vst v63  }
0x6d: {  	_ =	swait.ge [sflag:s26], $0x8000  }
0x6e: {  	[sflag:s26] =	ssyncset.done $0x0  }
0x6f: {  	s10 =	sand.u32 $0x7800, s0;
	[sflag:s26] =	ssyncadd.s32 $0xFFFF8000  }
0x70: {  	s1 =	sor.u32 $0x480, s10;
	s3 =	sand.u32 $0x300, s0;
	v3 =	vld [tilespmem:s2+$0x0]  }
0x71: {  	s3 =	sor.u32 s3, s1  }
0x72: {  	v4 =	vld [tilespmem:s3+$0x0]  }
0x73: {  	v5 =	vld [tilespmem:s3+$0x10]  }
0x74: {  	v6 =	vld [tilespmem:s3+$0x20]  }
0x75: {  	v7 =	vld [tilespmem:s3+$0x30];
	v8 =	vbroadcast v3, $0x0  }
0x76: {  	v9 =	vld [tilespmem:s3+$0x40]  }
0x77: {  	v11 =	vld [tilespmem:s3+$0x50];
	v10 =	vbroadcast v3, $0x1;
	v4 =	vmul.f32 v4, v8  }
0x78: {  	v5 =	vmul.f32 v5, v8;
	v8 =	vld [tilespmem:s3+$0x60]  }
0x79: {  	v13 =	vld [tilespmem:s3+$0x70];
	v12 =	vbroadcast v3, $0x2;
	v6 =	vmul.f32 v6, v10;
	v4 =	vadd.f32 $0.0e+00, v4  }
0x7a: {  	v38 =	vld [tilespmem:s3+$0x400];
	v7 =	vmul.f32 v7, v10;
	v5 =	vadd.f32 $0.0e+00, v5  }
0x7b: {  	v39 =	vld [tilespmem:s3+$0x410];
	v14 =	vbroadcast v3, $0x3;
	v4 =	vadd.f32 v6, v4;
	v6 =	vmul.f32 v9, v12  }
0x7c: {  	v40 =	vld [tilespmem:s3+$0x420];
	v5 =	vadd.f32 v7, v5;
	v7 =	vmul.f32 v11, v12  }
0x7d: {  	v41 =	vbroadcast v3, $0x4;
	v4 =	vadd.f32 v6, v4;
	v6 =	vmul.f32 v8, v14;
	v8 =	vld [tilespmem:s3+$0x430]  }
0x7e: {  	v42 =	vld [tilespmem:s3+$0x440];
	v5 =	vadd.f32 v7, v5;
	v7 =	vmul.f32 v13, v14  }
0x7f: {  	v44 =	vld [tilespmem:s3+$0x450];
	v43 =	vbroadcast v3, $0x5;
	v4 =	vadd.f32 v6, v4;
	v6 =	vmul.f32 v38, v41  }
0x80: {  	v45 =	vld [tilespmem:s3+$0x460];
	v5 =	vadd.f32 v7, v5;
	v7 =	vmul.f32 v39, v41  }
0x81: {  	v47 =	vld [tilespmem:s3+$0x470];
	v46 =	vbroadcast v3, $0x6;
	v4 =	vadd.f32 v6, v4;
	v6 =	vmul.f32 v40, v43  }
0x82: {  	v5 =	vadd.f32 v7, v5;
	v7 =	vmul.f32 v8, v43  }
0x83: {  	v8 =	vbroadcast v3, $0x7;
	v4 =	vadd.f32 v6, v4;
	v6 =	vmul.f32 v42, v46  }
0x84: {  	v5 =	vadd.f32 v7, v5;
	v7 =	vmul.f32 v44, v46  }
0x85: {  	v4 =	vadd.f32 v6, v4;
	v6 =	vmul.f32 v45, v8  }
0x86: {  	v5 =	vadd.f32 v7, v5;
	v7 =	vmul.f32 v47, v8  }
0x87: {  	v4 =	vadd.f32 v6, v4  }
0x88: {  	s11 =	simm.s32 $0x80;
	s8 =	simm.s32 $0x8510;
	v5 =	vadd.f32 v7, v5  }
0x89: {  	s3 =	sand.u32 $0x380, s11;
	[tilespmem:s8+$0xFFFFFF70] =	vst v4  }
0x8a: {  	s1 =	sadd.s32 s3, s1;
	[tilespmem:s8+$0xFFFFFF80] =	vst v5  }
0x8b: {  	v4 =	vld [tilespmem:s1+$0x0]  }
0x8c: {  	v5 =	vld [tilespmem:s1+$0x10]  }
0x8d: {  	v6 =	vld [tilespmem:s1+$0x20]  }
0x8e: {  	v7 =	vbroadcast v3, $0x8;
	v8 =	vld [tilespmem:s1+$0x30]  }
0x8f: {  	v48 =	vld [tilespmem:s1+$0x40]  }
0x90: {  	v49 =	vbroadcast v3, $0x9;
	v50 =	vld [tilespmem:s1+$0x50];
	v4 =	vmul.f32 v4, v7  }
0x91: {  	v5 =	vmul.f32 v5, v7;
	v7 =	vld [tilespmem:s1+$0x60]  }
0x92: {  	v51 =	vbroadcast v3, $0xA;
	v52 =	vld [tilespmem:s1+$0x70];
	v6 =	vmul.f32 v6, v49;
	v4 =	vadd.f32 $0.0e+00, v4  }
0x93: {  	v53 =	vld [tilespmem:s1+$0x400];
	v8 =	vmul.f32 v8, v49;
	v5 =	vadd.f32 $0.0e+00, v5  }
0x94: {  	v54 =	vbroadcast v3, $0xB;
	v55 =	vld [tilespmem:s1+$0x410];
	v4 =	vadd.f32 v6, v4;
	v6 =	vmul.f32 v48, v51  }
0x95: {  	v56 =	vld [tilespmem:s1+$0x420];
	v5 =	vadd.f32 v8, v5;
	v8 =	vmul.f32 v50, v51  }
0x96: {  	v57 =	vld [tilespmem:s1+$0x430];
	v4 =	vadd.f32 v6, v4;
	v6 =	vmul.f32 v7, v54;
	v7 =	vbroadcast v3, $0xC  }
0x97: {  	v58 =	vld [tilespmem:s1+$0x440];
	v5 =	vadd.f32 v8, v5;
	v8 =	vmul.f32 v52, v54  }
0x98: {  	v59 =	vbroadcast v3, $0xD;
	v60 =	vld [tilespmem:s1+$0x450];
	v4 =	vadd.f32 v6, v4;
	v6 =	vmul.f32 v53, v7  }
0x99: {  	v62 =	vld [tilespmem:s1+$0x460];
	v5 =	vadd.f32 v8, v5;
	v7 =	vmul.f32 v55, v7  }
0x9a: {  	v61 =	vbroadcast v3, $0xE;
	v8 =	vld [tilespmem:s1+$0x470];
	v4 =	vadd.f32 v6, v4;
	v6 =	vmul.f32 v56, v59  }
0x9b: {  	v5 =	vadd.f32 v7, v5;
	v7 =	vmul.f32 v57, v59  }
0x9c: {  	v4 =	vadd.f32 v6, v4;
	v6 =	vmul.f32 v58, v61  }
0x9d: {  	v63 =	vbroadcast v3, $0xF;
	v5 =	vadd.f32 v7, v5;
	v7 =	vmul.f32 v60, v61  }
0x9e: {  	v3 =	vadd.f32 v6, v4  }
0x9f: {  	s29 =	simm.s32 $0x8510;
	s1 =	simm.s32 $0x100;
	v4 =	vadd.f32 v7, v5;
	v5 =	vmul.f32 v62, v63;
	v6 =	vmul.f32 v8, v63  }
.LBB2_3:
0xa0: {  	s0 =	sadd.s32 $0x200, s0;
	s2 =	sadd.s32 $0x10, s2;
	s8 =	sadd.s32 $0x100, s8  }
0xa1: {  	p0 =	sne.s32 s1, $0x3F00;
	s3 =	smov.u32 s1;
	s1 =	sadd.s32 $0x100, s1;
	v3 =	vadd.f32 v5, v3;
	v4 =	vadd.f32 v6, v4  }
0xa2: {  	_ = 	snop  }
0xa3: {  	s10 =	sand.u32 $0x7800, s0;
	[tilespmem:s29+$0xFFFFFFF0] =	vst v3  }
0xa4: {  	s11 =	sand.u32 $0x300, s3;
	s10 =	sor.u32 $0x480, s10;
	[tilespmem:s29+$0x0] =	vst v4;
	s29 =	smov.u32 s8  }
0xa5: {  	s11 =	sor.u32 s11, s10;
	v3 =	vld [tilespmem:s2+$0x0]  }
0xa6: {  	v4 =	vld [tilespmem:s11+$0x30]  }
0xa7: {  	v5 =	vld [tilespmem:s11+$0x0]  }
0xa8: {  	v6 =	vld [tilespmem:s11+$0x10]  }
0xa9: {  	v7 =	vld [tilespmem:s11+$0x20]  }
0xaa: {  	v8 =	vbroadcast v3, $0x0;
	v9 =	vbroadcast v3, $0x1  }
0xab: {  	v10 =	vbroadcast v3, $0x2;
	v12 =	vbroadcast v3, $0x3;
	v11 =	vld [tilespmem:s11+$0x40]  }
0xac: {  	v5 =	vmul.f32 v5, v8;
	v4 =	vmul.f32 v4, v9;
	v13 =	vld [tilespmem:s11+$0x50]  }
0xad: {  	v14 =	vbroadcast v3, $0x4;
	v6 =	vmul.f32 v6, v8;
	v8 =	vld [tilespmem:s11+$0x60]  }
0xae: {  	v15 =	vbroadcast v3, $0x5;
	v5 =	vadd.f32 $0.0e+00, v5;
	v7 =	vmul.f32 v7, v9;
	v9 =	vld [tilespmem:s11+$0x70]  }
0xaf: {  	v17 =	vbroadcast v3, $0x6;
	v18 =	vbroadcast v3, $0x7;
	v6 =	vadd.f32 $0.0e+00, v6;
	v16 =	vld [tilespmem:s11+$0x400]  }
0xb0: {  	v5 =	vadd.f32 v7, v5;
	v7 =	vmul.f32 v11, v10;
	v11 =	vld [tilespmem:s11+$0x410]  }
0xb1: {  	v4 =	vadd.f32 v4, v6;
	v6 =	vmul.f32 v13, v10;
	v10 =	vld [tilespmem:s11+$0x420]  }
0xb2: {  	v5 =	vadd.f32 v7, v5;
	v7 =	vmul.f32 v8, v12;
	v8 =	vld [tilespmem:s11+$0x430]  }
0xb3: {  	v4 =	vadd.f32 v6, v4;
	v6 =	vmul.f32 v9, v12;
	v9 =	vld [tilespmem:s11+$0x440]  }
0xb4: {  	v5 =	vadd.f32 v7, v5;
	v7 =	vmul.f32 v16, v14;
	v12 =	vld [tilespmem:s11+$0x450]  }
0xb5: {  	v4 =	vadd.f32 v6, v4;
	v6 =	vmul.f32 v11, v14;
	v11 =	vld [tilespmem:s11+$0x460]  }
0xb6: {  	v5 =	vadd.f32 v7, v5;
	v7 =	vmul.f32 v10, v15;
	v10 =	vld [tilespmem:s11+$0x470]  }
0xb7: {  	v4 =	vadd.f32 v6, v4;
	v6 =	vmul.f32 v8, v15  }
0xb8: {  	v5 =	vadd.f32 v7, v5;
	v7 =	vmul.f32 v9, v17  }
0xb9: {  	v4 =	vadd.f32 v6, v4;
	v6 =	vmul.f32 v12, v17  }
0xba: {  	v5 =	vadd.f32 v7, v5;
	v7 =	vmul.f32 v11, v18  }
0xbb: {  	v4 =	vadd.f32 v6, v4;
	v6 =	vmul.f32 v10, v18  }
0xbc: {  	v5 =	vadd.f32 v7, v5  }
0xbd: {  	s3 =	sadd.s32 $0x80, s3;
	v4 =	vadd.f32 v6, v4  }
0xbe: {  	s3 =	sand.u32 $0x380, s3;
	[tilespmem:s8+$0xFFFFFF70] =	vst v5  }
0xbf: {  	s3 =	sadd.s32 s3, s10;
	[tilespmem:s8+$0xFFFFFF80] =	vst v4  }
0xc0: {  	v4 =	vld [tilespmem:s3+$0x0]  }
0xc1: {  	v5 =	vld [tilespmem:s3+$0x10]  }
0xc2: {  	v6 =	vld [tilespmem:s3+$0x20]  }
0xc3: {  	v7 =	vbroadcast v3, $0x8;
	v8 =	vld [tilespmem:s3+$0x30]  }
0xc4: {  	v9 =	vld [tilespmem:s3+$0x40]  }
0xc5: {  	v10 =	vbroadcast v3, $0x9;
	v4 =	vmul.f32 v4, v7;
	v11 =	vld [tilespmem:s3+$0x50]  }
0xc6: {  	v5 =	vmul.f32 v5, v7;
	v7 =	vld [tilespmem:s3+$0x60]  }
0xc7: {  	v12 =	vbroadcast v3, $0xA;
	v4 =	vadd.f32 $0.0e+00, v4;
	v6 =	vmul.f32 v6, v10;
	v13 =	vld [tilespmem:s3+$0x70]  }
0xc8: {  	v5 =	vadd.f32 $0.0e+00, v5;
	v8 =	vmul.f32 v8, v10;
	v10 =	vld [tilespmem:s3+$0x400]  }
0xc9: {  	v4 =	vadd.f32 v6, v4;
	v6 =	vmul.f32 v9, v12;
	v9 =	vbroadcast v3, $0xB;
	v14 =	vld [tilespmem:s3+$0x410]  }
0xca: {  	v5 =	vadd.f32 v8, v5;
	v8 =	vmul.f32 v11, v12;
	v11 =	vld [tilespmem:s3+$0x420]  }
0xcb: {  	v4 =	vadd.f32 v6, v4;
	v6 =	vmul.f32 v7, v9;
	v7 =	vbroadcast v3, $0xC;
	v12 =	vld [tilespmem:s3+$0x430]  }
0xcc: {  	v5 =	vadd.f32 v8, v5;
	v8 =	vmul.f32 v13, v9;
	v9 =	vld [tilespmem:s3+$0x440]  }
0xcd: {  	v4 =	vadd.f32 v6, v4;
	v6 =	vmul.f32 v10, v7;
	v10 =	vbroadcast v3, $0xD;
	v13 =	vld [tilespmem:s3+$0x450]  }
0xce: {  	v5 =	vadd.f32 v8, v5;
	v7 =	vmul.f32 v14, v7;
	v8 =	vld [tilespmem:s3+$0x470]  }
0xcf: {  	v4 =	vadd.f32 v6, v4;
	v6 =	vmul.f32 v11, v10;
	v11 =	vbroadcast v3, $0xE;
	v14 =	vld [tilespmem:s3+$0x460]  }
.Ltmp0:
0xd0: {  	v5 =	vadd.f32 v7, v5;
	v7 =	vmul.f32 v12, v10;
	(pc) =	sbr.rel @p0 .LBB2_3-.Ltmp0, $4  }
0xd1: {  	v4 =	vadd.f32 v6, v4;
	v6 =	vmul.f32 v9, v11  }
0xd2: {  	v9 =	vbroadcast v3, $0xF;
	v5 =	vadd.f32 v7, v5;
	v7 =	vmul.f32 v13, v11  }
0xd3: {  	v3 =	vadd.f32 v6, v4  }
0xd4: {  	v6 =	vmul.f32 v8, v9;
	v4 =	vadd.f32 v7, v5;
	v5 =	vmul.f32 v14, v9  }
0xd5: {  	_ = 	snop  }
0xd6: {  	v3 =	vadd.f32 v5, v3  }
0xd7: {  	s30 =	sadd.s32 $0x1, s30;
	v4 =	vadd.f32 v6, v4  }
0xd8: {  	s0 =	sshll.u32 s31, $0x4;
	p0 =	sne.s32 s30, $0x4A;
	[tilespmem:s29+$0xFFFFFFF0] =	vst v3  }
.Ltmp1:
0xd9: {  	s1 =	simm.s32 $0x0;
	s0 =	sadd.s32 s6, s0;
	[tilespmem:s29+$0x0] =	vst v4;
	(pc) =	sbr.rel @p0 .LBB2_2-.Ltmp1, $4  }
0xda: {  	[hbm4b:s0+s1] =	stream.linear.scatter [tilespmem:s28], [sflag:$0x2], $0x4000, $0x38;
	[tilespmem:$0xC480] =	vst v63  }
0xdb: {  	_ =	swait.ge [sflag:s9], $0x4000  }
0xdc: {  	[sflag:s9] =	ssyncset.done $0x0  }
0xdd: {  	[sflag:s9] =	ssyncadd.s32 $0xFFFFC000  }
0xde: {  	s1 =	rddreg [dreg:$0x4]  }
0xdf: {  	s0 =	rddreg [dreg:$0x3];
	s1 =	sadd.s32 $0x1, s1  }
0xe0: {  	p0 =	sne.s32 s1, s0  }
.Ltmp2:
0xe1: {  	_ = 	snop;
	(pc) =	sbr.rel @p0 .LBB2_1-.Ltmp2, $1  }
0xe2: {  	_ =	sdelay $0x3  }
0xe3: {  	_ =	sfence.sel $0x180000  }
0xe4: {  	[bflag:$0x0] =	sbarrier.arrive $0xFFFF  }
0xe5: {  	_ =	strace $0x90000047  }
0xe6: {  	s0 =	stileid.u32;
	[bflag:$0x2] =	sbarrier.arrive $0xFFFF  }
0xe7: {  	p0 =	sne.s32 s0, $0x0;
	s0 =	rddreg [dreg:$0x2]  }
0xe8: {  	s0 =	sadd.s32 @!p0 $0x100000, s0  }
0xe9: {  	[sflag:s0] =	ssyncadd.tile.s32 @!p0 $0x1;
	_ =	shalt  }
.Lfunc_end2:
_tile_overlayer_lowered:
.L_overlay_start_2:
0xea: {  	(tag) =	ssettag $0x2  }
0xeb: {  	s0 =	rddreg [dreg:$0x0];
	s2 =	stileid.u32  }
0xec: {  	s1 =	rddreg [dreg:$0x1];
	p0 =	sne.s32 s2, $0x0  }
0xed: {  	s3 =	rddreg [dreg:$0x2];
	[bflag:$0x3] =	sbarrier.arrive $0xFFFF;
	s2 =	simm.s32 @!p0 $0x1C02  }
0xee: {  	[timem:s3], [sflag:s2] =	dma.local @!p0 [hbm:s0], s1  }
0xef: {  	s0 =	simm.s32 @!p0 $0x2  }
0xf0: {  	_ =	swait.ge @!p0 [sflag:s0], s1  }
0xf1: {  	s1 =	ssub.s32 @!p0 $0x0, s1;
	[sflag:s0] =	ssyncset.done @!p0 $0x0  }
0xf2: {  	[sflag:s0] =	ssyncadd.s32 @!p0 s1  }
0xf3: {  	[bflag:$0x3] =	sbarrier.arrive $0xFFFF  }
0xf4: {  	_ =	shalt  }

// kernel: sparse-core-data-format-call.cloned.1.call-start
scs
called_computation_lowered:
.L_overlay_start_0:
0x0: {  	s2 =	sld [smem:$0x3FD9]  }
0x1: {  	s3 =	sld [smem:$0x3FFE];
	_ =	sdelay $0x1  }
0x2: {  	s1 =	srdreg.scid  }
0x3: {  	s0 =	sand.u32 $0x1, s1  }
0x4: {  	s18 =	sshll.u32 s0, $0xA;
	s2 =	sadd.s32 s3, s2  }
0x5: {  	s2 =	sadd.s32 s2, s18  }
0x6: {  	[smem:$0x3FC4] =	sst s2  }
0x7: {  	_ = 	snop  }
0x8: {  	s2 =	sld [smem:$0x3FD0];
	(tm) =	ssettm $0x1  }
0x9: {  	s19 =	sld [smem:$0x3FFB];
	_ =	sdelay $0x3  }
0xa: {  	_ =	strace s19  }
0xb: {  	s3 =	sld [smem:$0x3FFC];
	_ =	sdelay $0x3  }
0xc: {  	_ =	strace s3  }
0xd: {  	s3 =	sld [smem:$0x3FFD];
	_ =	sdelay $0x3  }
0xe: {  	_ =	strace s3  }
0xf: {  	_ =	strace $0x8FFFFFFF  }
0x10: {  	s20 =	sld [smem:$0x3FDB];
	_ =	sdelay $0x1  }
0x11: {  	s4 =	simm.s32 $_scs_section_size  }
0x12: {  	s5 =	simm.s32 $_size__tile_overlayer_lowered;
	s6 =	simm.s32 $_tile_overlayer_lowered  }
0x13: {  	s23 =	simm.s32 $0x1BFF;
	s22 =	sshll.u32 s6, $0x1;
	s3 =	sadd.s32 s4, s20  }
0x14: {  	s7 =	simm.s32 $0x0;
	s21 =	sshll.u32 s5, $0x1;
	s5 =	sadd.s32 s22, s3  }
0x15: {  	[timem:s7], [sflag:s23] =	dma.local [hbm:s5], s21  }
0x16: {  	_ =	swait.ge [sflag:s23], s21  }
0x17: {  	s4 =	ssub.s32 $0x0, s21;
	[sflag:s23] =	ssyncset.done $0x0  }
0x18: {  	[sflag:s23] =	ssyncadd.s32 s4;
	_ =	sdelay $0x1  }
0x19: {  	s24 =	simm.s32 $0x1B8B  }
0x1a: {  	_ =	swait.ge [sflag:s24], $0x1  }
0x1b: {  	[sflag:s24] =	ssyncset.done $0x0  }
0x1c: {  	s26 =	simm.s32 $0x1B8E;
	s25 =	sld [smem:$0x3FFE];
	[sflag:s24] =	ssyncadd.s32 $0xFFFFFFFF  }
0x1d: {  	s27 =	simm.s32 $execute0_lowered;
	[smem:$0x3FD2] =	sst s26  }
0x1e: {  	s5 =	sshll.u32 s27, $0x1;
	_ =	strace $0x80000049;
	[dreg:$0x1] =	wrdreg $0xFFFFFFFF  }
0x1f: {  	s28 =	simm.s32 $_size_execute0_lowered;
	s3 =	sadd.s32 s3, s5;
	[dreg:$0x0] =	wrdreg $0x0  }
0x20: {  	s5 =	sshll.u32 s28, $0x1;
	[dreg:$0x2] =	wrdreg s3  }
0x21: {  	[dreg:$0x3] =	wrdreg s5  }
0x22: {  	[dreg:$0x4] =	wrdreg $0xC0  }
0x23: {  	_ =	task [dreg:s7], $0x5FFFF  }
0x24: {  	[dreg:$0x1] =	wrdreg $0xFFFFFFFF  }
0x25: {  	[dreg:$0x0] =	wrdreg $0x60  }
0x26: {  	[dreg:$0x2] =	wrdreg s25  }
0x27: {  	[dreg:$0x3] =	wrdreg s2  }
0x28: {  	[dreg:$0x4] =	wrdreg $0x9  }
0x29: {  	_ =	task.clear_ibuf [dreg:s7], $0x5FFFF;
	_ =	strace $0x90000049  }
0x2a: {  	s29 =	simm.s32 $0x9;
	_ =	strace $0x8000004B  }
0x2b: {  	_ =	swait.ge [sflag:s29], $0x1  }
0x2c: {  	[sflag:s29] =	ssyncadd.s32 $0xFFFFFFFF  }
0x2d: {  	_ =	strace $0x9000004B  }
0x2e: {  	_ =	sfence  }
0x2f: {  	s30 =	sld [smem:$0x0];
	_ =	sdelay $0x2  }
0x30: {  	s31 =	sshll.u32 s1, $0xD;
	s1 =	sshrl.u32 s1, $0x2  }
0x31: {  	s3 =	sand.u32 $0x4000, s31;
	s1 =	sadd.s32 s1, s30  }
0x32: {  	s0 =	sor.u32 s3, s0;
	s1 =	sshll.u32 s1, $0x11  }
0x33: {  	s0 =	sor.u32 s1, s0  }
0x34: {  	s0 =	sadd.s32 $0x8F2B, s0  }
0x35: {  	[sflag:s0] =	ssyncadd.remote.s32 $0x1  }
0x36: {  	_ =	sfence.sel $0xFFFF  }
0x37: {  	[dreg:$0x0] =	wrdreg $0xFFFFFFFF;
	(pc) =	sbr.abs _section_cstart, $3  }
0x38: {  	[dreg:$0x1] =	wrdreg $0xFFFFFFFF  }
0x39: {  	_ =	task.clear_ibuf [dreg:s7], $0x2FFFF;
	_ =	strace $0x9FFFFFFF  }
0x3a: {  	(tm) =	ssettm $0x7FFFFFFF  }
0x3b: {  	_ =	shalt  }
tec
execute0_lowered:
.L_overlay_start_1:
0x0: {  	(tag) =	ssettag $0x1  }
0x1: {  	s4 =	rddreg [dreg:$0x0]  }
0x2: {  	s0 =	srdreg.scid;
	s2 =	rddreg [dreg:$0x1]  }
0x3: {  	s1 =	stileid.u32;
	s5 =	simm.s32 $0x1;
	s0 =	sshll.u32 s0, $0x4  }
0x4: {  	s7 =	simm.s32 $0x2;
	s11 =	simm.s32 $0x0;
	s3 =	sand.u32 $0x10, s0  }
.Ltmp0:
0x5: {  	p0 =	por $0x0, $0x0;
	s3 =	sor.u32 s1, s3;
	(pc) =	sbr.rel .LBB1_1-.Ltmp0, $4  }
0x6: {  	s8 =	simm.s32 $0x24A000;
	s10 =	simm.s32 $0x0;
	s3 =	sshll.u32 s3, $0x7  }
0x7: {  	s0 =	rddreg [dreg:$0x2];
	_ =	strace $0x8000004A;
	s6 =	ssub.s32 $0x49380, s3  }
0x8: {  	s4 =	sadd.s32 $0x7B7200, s4;
	[sflag:s5] =	ssyncpa.u1 $0x0;
	s6 =	sshrl.u32 s6, $0xC  }
0x9: {  	[sflag:s7] =	ssyncpa.u1 $0x0;
	s9 =	smov.u32 s3;
	s7 =	sor.u32 $0x2, s6  }
.LBB1_5:
0xa: {  	s13 =	sadd.s32 $0x1000, s9  }
0xb: {  	p2 =	sgt.s32 s13, $0x493DF  }
0xc: {  	s13 =	smov.u32 @p2 s3;
	p2 =	sne.s32 s10, s7  }
.Ltmp1:
0xd: {  	p1 =	slt.u32 s10, $0x2;
	(pc) =	sbr.rel @!p2 .LBB1_6-.Ltmp1, $4  }
0xe: {  	s12 =	simm.s32 @!p1 $0x2  }
0xf: {  	s14 =	sadd.s32 $0x1, s10;
	_ =	swait.ge @!p1 [sflag:s12], $0x1000  }
0x10: {  	s11 =	smov.u32 s9;
	p0 =	por !p0, !p0;
	[sflag:s12] =	ssyncset.done @!p1 $0x0  }
0x11: {  	s10 =	smov.u32 s14;
	s9 =	smov.u32 s13;
	[sflag:s12] =	ssyncadd.s32 @!p1 $0xFFFFF000  }
.LBB1_1:
0x12: {  	p1 =	sgt.u32 s10, s6  }
0x13: {  	s13 =	smov.u32 s9;
	p2 =	sgt.s32 @!p1 s9, $0x49360  }
0x14: {  	s12 =	sand.u32 @!p1 $0x1FFFFFF, s9;
	s14 =	sshra.s32 @!p1 s9, $0x1F;
	p2 =	por !p2, p1  }
0x15: {  	s15 =	smulhi.u32 @!p1 $0x37EC8ED, s12;
	s14 =	sand.u32 @!p1 s14, s9;
	s13 =	simm.s32 @p2 $0x49360  }
0x16: {  	s13 =	ssub.s32 @!p1 s13, s14  }
0x17: {  	s14 =	sshrl.u32 @!p1 s15, $0xC;
	s13 =	sadd.s32 @!p1 $0xFFFB6CA0, s13  }
0x18: {  	s15 =	sxor.u32 @!p1 $0xFFFFFFFF, s10;
	s14 =	smul.u32 @!p1 $0x493E0, s14;
	s16 =	sshll.u32 @!p1 s13, $0x7  }
0x19: {  	s15 =	sshll.u32 @!p1 s15, $0xC;
	p2 =	sgt.s32 @!p1 s13, $0x7F;
	s13 =	ssub.s32 @!p1 $0x4000, s16  }
0x1a: {  	s12 =	ssub.s32 @!p1 s12, s14;
	p2 =	por !p2, p1;
	s14 =	sand.u32 @!p1 $0x1000, s15  }
0x1b: {  	s15 =	simm.s32 @!p1 $0x20;
	s13 =	sshrl.u32 @!p1 s13, $0x2;
	s12 =	sshll.u32 @!p1 s12, $0x4  }
0x1c: {  	s16 =	simm.s32 @!p1 $0x80;
	s13 =	simm.s32 @!p2 $0x0;
	s12 =	sadd.s32 @!p1 s4, s12  }
0x1d: {  	[tilespmem:s14], [sflag:$0x1] =	stream.strided.gather @!p1 [hbm4b:s12+s15], s13, s16, s15, $0x38;
	[tilespmem:$0x4040] =	vst v63  }
0x1e: {  	p1 =	seq.s32 s10, $0x0  }
0x1f: {  	p2 =	sge.u32 @!p1 s10, s7  }
0x20: {  	p1 =	por p1, p2  }
.Ltmp2:
0x21: {  	_ = 	snop;
	(pc) =	sbr.rel @p1 .LBB1_5-.Ltmp2, $1  }
0x22: {  	_ =	sdelay $0x3  }
0x23: {  	p1 =	sgt.s32 s11, $0x49360;
	s12 =	smov.u32 s11;
	s13 =	sshra.s32 s11, $0x1F  }
0x24: {  	s12 =	simm.s32 @!p1 $0x49360;
	s13 =	sand.u32 s13, s11  }
0x25: {  	s12 =	ssub.s32 s12, s13  }
0x26: {  	s12 =	sadd.s32 $0xFFFB6CA0, s12  }
0x27: {  	s28 =	sshll.u32 s12, $0x7  }
0x28: {  	s13 =	ssub.s32 $0x4000, s28  }
0x29: {  	p1 =	sgt.s32 s12, $0x7F;
	s12 =	sshrl.u32 s13, $0x2  }
0x2a: {  	s13 =	simm.s32 $0x1;
	s12 =	simm.s32 @p1 $0x0  }
0x2b: {  	s13 =	simm.s32 @!p0 $0x0;
	_ =	swait.ge [sflag:s5], s12  }
0x2c: {  	s14 =	sshll.u32 s13, $0xC;
	s12 =	ssub.s32 $0x0, s12;
	[sflag:s5] =	ssyncset.done $0x0  }
0x2d: {  	s16 =	sor.u32 $0x10, s14;
	[sflag:s5] =	ssyncadd.s32 s12  }
0x2e: {  	s29 =	smul.u32 $0x4080, s13;
	v1 =	vld [tilespmem:s16+$0x0]  }
0x2f: {  	s30 =	sand.u32 $0x1, s10;
	v0 =	vld [tilespmem:s16+$0xFFFFFFF0]  }
0x30: {  	s13 =	smul.u32 $0x4080, s30;
	s12 =	sshrl.u32 s29, $0x2  }
0x31: {  	s14 =	sor.u32 $0x2000, s12  }
0x32: {  	s31 =	sshrl.u32 s13, $0x2;
	s13 =	sadd.s32 $0x0, s14  }
0x33: {  	s15 =	simm.s32 $0x4;
	s12 =	sor.u32 $0x2000, s31;
	s16 =	sadd.s32 $0x20, s16;
	[tilespmem:s13+$0x810 ss:$0x81] =	vst.msk $0xffff, v1  }
.LBB1_3:
0x34: {  	v1 =	vld [tilespmem:s16+$0x0];
	p1 =	sne.s32 s15, $0x1FC;
	[tilespmem:s13+$0x0 ss:$0x81] =	vst.msk $0xffff, v0;
	s13 =	smov.u32 s15;
	s15 =	sadd.s32 $0x4, s15  }
.Ltmp3:
0x35: {  	v0 =	vld [tilespmem:s16+$0xFFFFFFF0];
	(pc) =	sbr.rel @p1 .LBB1_3-.Ltmp3, $4  }
0x36: {  	_ = 	snop  }
0x37: {  	s13 =	sshra.s32 s13, $0x2  }
0x38: {  	s13 =	sadd.s32 s13, s14  }
0x39: {  	s16 =	sadd.s32 $0x20, s16;
	[tilespmem:s13+$0x810 ss:$0x81] =	vst.msk $0xffff, v1  }
0x3a: {  	s14 =	sshll.u32 s11, $0x3  }
0x3b: {  	s30 =	sand.u32 $0x7F, s11;
	s15 =	sand.u32 $0xFFFFFC00, s14  }
0x3c: {  	s14 =	smulhi.u32 $0xDFAC1F75, s14;
	s11 =	sor.u32 s30, s15  }
0x3d: {  	s15 =	smulhi.u32 $0xDFAC1F75, s11;
	_ =	sdelay $0x1  }
0x3e: {  	s14 =	sshrl.u32 s14, $0x12;
	s15 =	sshrl.u32 s15, $0x12  }
0x3f: {  	s14 =	sand.u32 $0x1F, s14;
	s15 =	smul.u32 $0x49400, s15  }
0x40: {  	s14 =	smul.u32 $0x9280, s14  }
.Ltmp4:
0x41: {  	s11 =	ssub.s32 s11, s15;
	(pc) =	sbr.rel .LBB1_5-.Ltmp4, $4  }
0x42: {  	s15 =	sand.u32 $0x7, s11  }
0x43: {  	s14 =	sadd.s32 s2, s14;
	s11 =	sshrl.u32 s11, $0x3;
	s15 =	sshll.u32 s15, $0x12  }
0x44: {  	[tilespmem:s13+$0x0 ss:$0x81] =	vst.msk $0xffff, v0;
	s11 =	sadd.s32 s11, s14;
	s31 =	sor.u32 $0x400, s15  }
0x45: {  	[hbm4b:s11+s31] =	stream.strided.scatter [tilespmem:s12], [sflag:$0x2], $0x1000, s8, s31, $0x20;
	[tilespmem:$0x4040] =	vst v63  }
.LBB1_6:
0x46: {  	_ =	sfence.sel $0x180000  }
0x47: {  	s2 =	simm.s32 $0x1;
	[bflag:$0x0] =	sbarrier.arrive $0xFFFF  }
0x48: {  	s31 =	simm.s32 $0x2;
	[sflag:s2] =	ssyncpa.u1 $0x1  }
0x49: {  	[sflag:s31] =	ssyncpa.u1 $0x1  }
0x4a: {  	p0 =	sne.s32 s1, $0x0;
	_ =	strace $0x9000004A  }
0x4b: {  	s0 =	sadd.s32 @!p0 $0x100000, s0;
	[bflag:$0x2] =	sbarrier.arrive $0xFFFF  }
0x4c: {  	[sflag:s0] =	ssyncadd.tile.s32 @!p0 $0x1;
	_ =	shalt  }
.Lfunc_end1:
_tile_overlayer_lowered:
.L_overlay_start_2:
0x4d: {  	(tag) =	ssettag $0x2  }
0x4e: {  	s0 =	rddreg [dreg:$0x0];
	s2 =	stileid.u32  }
0x4f: {  	s1 =	rddreg [dreg:$0x1];
	p0 =	sne.s32 s2, $0x0  }
0x50: {  	s3 =	rddreg [dreg:$0x2];
	[bflag:$0x3] =	sbarrier.arrive $0xFFFF;
	s2 =	simm.s32 @!p0 $0x1C01  }
0x51: {  	[timem:s3], [sflag:s2] =	dma.local @!p0 [hbm:s0], s1  }
0x52: {  	s0 =	simm.s32 @!p0 $0x1  }
0x53: {  	_ =	swait.ge @!p0 [sflag:s0], s1  }
0x54: {  	s1 =	ssub.s32 @!p0 $0x0, s1;
	[sflag:s0] =	ssyncset.done @!p0 $0x0  }
0x55: {  	[sflag:s0] =	ssyncadd.s32 @!p0 s1  }
0x56: {  	[bflag:$0x3] =	sbarrier.arrive $0xFFFF  }
0x57: {  	_ =	shalt  }

</sc_bundles>
